<compile_context>
chip_gen: v7x
topology: tpu7x:2x2x1
jax: 0.10.2.dev20260603
libtpu: 0.0.44.dev20260713+nightly
codegen_flags: <defaults>
</compile_context>

<pallas_src>
import functools

import jax
import jax.numpy as jnp
from jax import lax
from jax.experimental import pallas as pl
from jax.experimental.pallas import tpu as pltpu
from jax.experimental.pallas import tpu_sc as plsc

_BF = jnp.bfloat16
_F32 = jnp.float32


def _mega_body(ph_ref, a0_ref, w1_ref, w2_ref, w3_ref, w4_ref,
               cat0_ref, cat1_ref, sh, sf0, sf1, sf2):
    b = pl.program_id(0)

    @pl.when(b == 0)
    def _zero_canvases():
        sh[...] = jnp.zeros(sh.shape, _F32)
        sf0[...] = jnp.zeros(sf0.shape, _F32)
        sf1[...] = jnp.zeros(sf1.shape, _F32)
        sf2[...] = jnp.zeros(sf2.shape, _F32)

    parts = []
    for ky in range(7):
        for kx in range(7):
            p = (ky % 4) * 4 + (kx % 4)
            off = (ky // 4) * 104 + (kx // 4)
            parts.append(ph_ref[0, p, :, off:off + 9984])
    bb = jnp.concatenate(parts, axis=0)
    val = jnp.dot(a0_ref[...], bb, preferred_element_type=_F32)
    val = jnp.maximum(val, 0.0)
    t3 = jnp.transpose(val).reshape(96, 104, 128)
    sh[1:97, 1:97, :] = t3[:, 0:96, :]

    acc = None
    for ky in range(3):
        for kx in range(3):
            a = sh[ky:ky + 95:2, kx:kx + 95:2, :]
            a = a.astype(_BF).reshape(2304, 128)
            d = jnp.dot(a, w1_ref[ky * 3 + kx], preferred_element_type=_F32)
            acc = d if acc is None else acc + d
    r = jnp.maximum(acc, 0.0)
    cat0_ref[0, 0:192, :] = jnp.transpose(r[:, 0:192])
    sf0[1:49, 1:49, :, :] = r.reshape(48, 48, 2, 128)

    acc = None
    for ky in range(3):
        for kx in range(3):
            a = sf0[ky:ky + 48, kx:kx + 48, :, :]
            a = a.astype(_BF).reshape(2304, 256)
            d = jnp.dot(a, w2_ref[ky * 3 + kx], preferred_element_type=_F32)
            acc = d if acc is None else acc + d
    r = jnp.maximum(acc, 0.0)
    cat0_ref[0, 192:384, :] = jnp.transpose(r[:, 0:192])
    sf1[1:49, 1:49, :, :] = r.reshape(48, 48, 2, 128)

    acc = None
    for ky in range(3):
        for kx in range(3):
            a = sf1[ky:ky + 47:2, kx:kx + 47:2, :, :]
            a = a.astype(_BF).reshape(576, 256)
            d = jnp.dot(a, w3_ref[ky * 3 + kx], preferred_element_type=_F32)
            acc = d if acc is None else acc + d
    r = jnp.maximum(acc, 0.0)
    cat1_ref[0, :, 576:640] = jnp.zeros((768, 64), _F32)
    cat1_ref[0, 0:384, 0:576] = jnp.transpose(r)
    sf2[1:25, 1:25, :, :] = r.reshape(24, 24, 3, 128)

    acc = None
    for ky in range(3):
        for kx in range(3):
            a = sf2[ky:ky + 24, kx:kx + 24, :, :]
            a = a.astype(_BF).reshape(576, 384)
            d = jnp.dot(a, w4_ref[ky * 3 + kx], preferred_element_type=_F32)
            acc = d if acc is None else acc + d
    r = jnp.maximum(acc, 0.0)
    cat1_ref[0, 384:768, 0:576] = jnp.transpose(r)


def _mega_call(ph0, a0, w1, w2, w3, w4):
    bsz = ph0.shape[0]
    return pl.pallas_call(
        _mega_body,
        grid=(bsz,),
        in_specs=[
            pl.BlockSpec((1, 16, 3, 10192), lambda b: (b, 0, 0, 0)),
            pl.BlockSpec((128, 147), lambda b: (0, 0)),
            pl.BlockSpec((9, 128, 256), lambda b: (0, 0, 0)),
            pl.BlockSpec((9, 256, 256), lambda b: (0, 0, 0)),
            pl.BlockSpec((9, 256, 384), lambda b: (0, 0, 0)),
            pl.BlockSpec((9, 384, 384), lambda b: (0, 0, 0)),
        ],
        out_specs=[
            pl.BlockSpec((1, 384, 2304), lambda b: (b, 0, 0)),
            pl.BlockSpec((1, 768, 640), lambda b: (b, 0, 0)),
        ],
        out_shape=[
            jax.ShapeDtypeStruct((bsz, 384, 2304), _F32),
            jax.ShapeDtypeStruct((bsz, 768, 640), _F32),
        ],
        scratch_shapes=[
            pltpu.VMEM((98, 98, 128), _F32),
            pltpu.VMEM((50, 50, 2, 128), _F32),
            pltpu.VMEM((50, 50, 2, 128), _F32),
            pltpu.VMEM((26, 26, 3, 128), _F32),
        ],
    )(ph0, a0, w1, w2, w3, w4)



_NC, _NS = 2, 16
_NW = _NC * _NS


def _sc_gather_both(cat0, cat1, fm0, fm1, bsz):
    nf0, nf1 = fm0.shape[0], fm1.shape[0]
    b0, b1 = bsz * nf0, bsz * nf1
    pw0, pw1 = b0 // _NW, b1 // _NW
    c0, c1 = 16, 64
    mesh = plsc.VectorSubcoreMesh(core_axis_name="c", subcore_axis_name="s")

    @functools.partial(
        pl.kernel,
        mesh=mesh,
        out_type=[
            jax.ShapeDtypeStruct((b0, 2304), _F32),
            jax.ShapeDtypeStruct((b1, 640), _F32),
        ],
        scratch_types=[
            pltpu.VMEM((nf0,), jnp.int32),
            pltpu.VMEM((nf1,), jnp.int32),
            pltpu.VMEM((c0,), jnp.int32),
            pltpu.VMEM((c1,), jnp.int32),
            pltpu.VMEM((c0, 2304), _F32),
            pltpu.VMEM((c1, 640), _F32),
            pltpu.SemaphoreType.DMA,
        ],
    )
    def k(cat0_hbm, cat1_hbm, fm0_hbm, fm1_hbm, out0_hbm, out1_hbm,
          fm0_v, fm1_v, i0_v, i1_v, r0_v, r1_v, sem):
        wid = lax.axis_index("s") * _NC + lax.axis_index("c")
        pltpu.sync_copy(fm0_hbm, fm0_v)
        pltpu.sync_copy(fm1_hbm, fm1_v)
        for c in range(pw0 // c0):
            r0 = wid * pw0 + c * c0
            n = r0 // nf0
            j0 = r0 % nf0
            i0_v[...] = fm0_v[pl.ds(j0, c0)] + n * 384
            pltpu.async_copy(cat0_hbm.at[i0_v], r0_v, sem).wait()
            pltpu.sync_copy(r0_v, out0_hbm.at[pl.ds(r0, c0)])
        for c in range(pw1 // c1):
            r1 = wid * pw1 + c * c1
            n = r1 // nf1
            j0 = r1 % nf1
            for i in range(c1 // 16):
                i1_v[pl.ds(i * 16, 16)] = (
                    fm1_v[pl.ds(j0 + i * 16, 16)] + n * 768)
            pltpu.async_copy(cat1_hbm.at[i1_v], r1_v, sem).wait()
            pltpu.sync_copy(r1_v, out1_hbm.at[pl.ds(r1, c1)])

    return k(cat0, cat1, fm0, fm1)


def _trim_body(in_ref, out_ref):
    out_ref[0] = in_ref[0, :, 0:576]


def _trim_call(a):
    bsz, rows, _ = a.shape
    return pl.pallas_call(
        _trim_body,
        grid=(bsz,),
        in_specs=[pl.BlockSpec((1, rows, 640), lambda b: (b, 0, 0))],
        out_specs=pl.BlockSpec((1, rows, 576), lambda b: (b, 0, 0)),
        out_shape=jax.ShapeDtypeStruct((bsz, rows, 576), _F32),
    )(a)




def kernel(x, W0, W1, W2, W3, W4, fm0, fm1):
    bsz = x.shape[0]

    sel = jnp.zeros((48, 3, 4, 4), _F32)
    for pr in range(4):
        for pc in range(4):
            for c in range(3):
                sel = sel.at[(pr * 4 + pc) * 3 + c, c, pr, pc].set(1.0)
    ph0 = lax.conv_general_dilated(
        x, sel, (4, 4), ((3, 5), (3, 29)),
        dimension_numbers=("NCHW", "OIHW", "NCHW"))
    ph0 = ph0.reshape(bsz, 16, 3, 10192).astype(_BF)

    a0 = jnp.pad(W0.transpose(0, 2, 3, 1).reshape(96, 147),
                 ((0, 32), (0, 0))).astype(_BF)
    w1 = jnp.pad(W1.transpose(2, 3, 1, 0).reshape(9, 96, 192),
                 ((0, 0), (0, 32), (0, 64))).astype(_BF)
    w2 = jnp.pad(W2.transpose(2, 3, 1, 0).reshape(9, 192, 192),
                 ((0, 0), (0, 64), (0, 64))).astype(_BF)
    w3 = jnp.pad(W3.transpose(2, 3, 1, 0).reshape(9, 192, 384),
                 ((0, 0), (0, 64), (0, 0))).astype(_BF)
    w4 = W4.transpose(2, 3, 1, 0).reshape(9, 384, 384).astype(_BF)

    cat0, cat1 = _mega_call(ph0, a0, w1, w2, w3, w4)
    cat0 = cat0.reshape(bsz * 384, 2304)
    cat1 = cat1.reshape(bsz * 768, 640)

    out0, out1p = _sc_gather_both(cat0, cat1, fm0, fm1, bsz)
    out1 = _trim_call(out1p.reshape(bsz, fm1.shape[0], 640))
    return (out0.reshape(bsz, fm0.shape[0], 48, 48),
            out1.reshape(bsz, fm1.shape[0], 24, 24))

# --- scband reference (transcript-rebuilt; emitter-appended) ---
"""Pipeline reference for scband-torch-filter-fmaps-6674379178332 (READ-ONLY COPY).

The authoritative reference and input builder live on the scoring server;
editing this copy changes nothing except your own understanding.
"""

import jax, jax.numpy as jnp
import numpy as np

LMASK = [[0, 1], [2, 3]]

def _conv(x, w, stride, pad):
    return jax.lax.conv_general_dilated(x, w, (stride, stride), [(pad, pad), (pad, pad)], dimension_numbers=('NCHW', 'OIHW', 'NCHW'))

def _fmaps_forward(x, W0, W1, W2, W3, W4):
    h = jax.nn.relu(_conv(x, W0, 4, 3))
    f0 = jax.nn.relu(_conv(h, W1, 2, 1))
    f1 = jax.nn.relu(_conv(f0, W2, 1, 1))
    f2 = jax.nn.relu(_conv(f1, W3, 2, 1))
    f3 = jax.nn.relu(_conv(f2, W4, 1, 1))
    return [f0, f1, f2, f3]

def setup_inputs(seed: int = 0):
    key = jax.random.key(seed)
    ks = jax.random.split(key, 6)
    x = jax.random.normal(ks[0], (8, 3, 384, 384), dtype=jnp.float32)
    def he(k, shape):
        fan_in = shape[1] * shape[2] * shape[3]
        return jax.random.normal(k, shape, dtype=jnp.float32) * (2.0 / fan_in) ** 0.5
    W0 = he(ks[1], (96, 3, 7, 7))
    W1 = he(ks[2], (192, 96, 3, 3))
    W2 = he(ks[3], (192, 192, 3, 3))
    W3 = he(ks[4], (384, 192, 3, 3))
    W4 = he(ks[5], (384, 384, 3, 3))
    rs = np.random.RandomState(0)
    fm0 = jnp.asarray(np.sort(rs.choice(384, 256, replace=False)).astype(np.int32))
    fm1 = jnp.asarray(np.sort(rs.choice(768, 512, replace=False)).astype(np.int32))
    return {"x": x, "W0": W0, "W1": W1, "W2": W2, "W3": W3, "W4": W4, "fm0": fm0, "fm1": fm1}

def reference(x, W0, W1, W2, W3, W4, fm0, fm1):
    fmaps = _fmaps_forward(x, W0, W1, W2, W3, W4)
    fmask = [fm0, fm1]
    outs = []
    for lm, fm in zip(LMASK, fmask):
        cat = jnp.concatenate([fmaps[l] for l in lm], axis=1)
        outs.append(jnp.take(cat, fm, axis=1))
    return tuple(outs)

if __name__ == "__main__":
    import jax
    _d = setup_inputs()
    print(jax.jit(kernel)(*tuple(_d.values())))

</pallas_src>

<mosaic_0001>
#map = affine_map<(d0, d1) -> (0, 0)>
#map1 = affine_map<(d0, d1) -> (0)>
module attributes {stable_mosaic.version = 14 : i64} {
  func.func @k(%arg0: i32, %arg1: i32, %arg2: memref<3072x2304xf32, #tpu.memory_space<hbm>>, %arg3: memref<6144x640xf32, #tpu.memory_space<hbm>>, %arg4: memref<256xi32, #tpu.memory_space<hbm>>, %arg5: memref<512xi32, #tpu.memory_space<hbm>>, %arg6: memref<2048x2304xf32, #tpu.memory_space<hbm>>, %arg7: memref<4096x640xf32, #tpu.memory_space<hbm>>, %arg8: memref<256xi32, #tpu.memory_space<vmem>>, %arg9: memref<512xi32, #tpu.memory_space<vmem>>, %arg10: memref<16xi32, #tpu.memory_space<vmem>>, %arg11: memref<64xi32, #tpu.memory_space<vmem>>, %arg12: memref<16x2304xf32, #tpu.memory_space<vmem>>, %arg13: memref<64x640xf32, #tpu.memory_space<vmem>>, %arg14: memref<!tpu.dma_semaphore, #tpu.memory_space<semaphore_mem>>) attributes {dimension_semantics = [#tpu.dimension_semantics<core_parallel>, #tpu.dimension_semantics<subcore_parallel>], iteration_bounds = array<i64: 2, 16>, scalar_prefetch = 0 : i64, scratch_operands = 7 : i64, tpu.core_type = #tpu.core_type<sc_vector_subcore>, window_params = [{transform_indices = #map}, {transform_indices = #map}, {transform_indices = #map1}, {transform_indices = #map1}, {transform_indices = #map}, {transform_indices = #map}]} {
    %mul3A = arith.constant 2 : i32
    %mul3A_0 = arith.muli %arg1, %mul3A : i32
    %add3A = arith.addi %mul3A_0, %arg0 : i32
    "tpu.region"() ({
      %run_scoped3A = tpu.sem_alloc : memref<!tpu.dma_semaphore, #tpu.memory_space<semaphore_mem>>
      tpu.enqueue_dma source(%arg4 : memref<256xi32, #tpu.memory_space<hbm>>) target(%arg8 : memref<256xi32, #tpu.memory_space<vmem>>) target_semaphore(%run_scoped3A : memref<!tpu.dma_semaphore, #tpu.memory_space<semaphore_mem>>)
      tpu.wait_dma2 semaphore(%run_scoped3A : memref<!tpu.dma_semaphore, #tpu.memory_space<semaphore_mem>>) src(%arg4 : memref<256xi32, #tpu.memory_space<hbm>>) dst(%arg8 : memref<256xi32, #tpu.memory_space<vmem>>)
      tpu.yield
    }) : () -> ()
    "tpu.region"() ({
      %run_scoped3A = tpu.sem_alloc : memref<!tpu.dma_semaphore, #tpu.memory_space<semaphore_mem>>
      tpu.enqueue_dma source(%arg5 : memref<512xi32, #tpu.memory_space<hbm>>) target(%arg9 : memref<512xi32, #tpu.memory_space<vmem>>) target_semaphore(%run_scoped3A : memref<!tpu.dma_semaphore, #tpu.memory_space<semaphore_mem>>)
      tpu.wait_dma2 semaphore(%run_scoped3A : memref<!tpu.dma_semaphore, #tpu.memory_space<semaphore_mem>>) src(%arg5 : memref<512xi32, #tpu.memory_space<hbm>>) dst(%arg9 : memref<512xi32, #tpu.memory_space<vmem>>)
      tpu.yield
    }) : () -> ()
    %mul3A_1 = arith.constant 64 : i32
    %mul3A_2 = arith.muli %add3A, %mul3A_1 : i32
    %add3A_3 = arith.constant 0 : i32
    %add3A_4 = arith.addi %mul3A_2, %add3A_3 : i32
    %jit3A = arith.constant 256 : i32
    %div3A = arith.divsi %add3A_4, %jit3A : i32
    %sign3A = arith.constant 0 : i32
    %sign3A_5 = arith.cmpi sgt, %add3A_4, %sign3A : i32
    %sign3A_6 = arith.extui %sign3A_5 : i1 to i32
    %sign3A_7 = arith.constant 0 : i32
    %sign3A_8 = arith.cmpi slt, %add3A_4, %sign3A_7 : i32
    %sign3A_9 = arith.extui %sign3A_8 : i1 to i32
    %sign3A_10 = arith.subi %sign3A_6, %sign3A_9 : i32
    %sign3A_11 = arith.constant 0 : i32
    %sign3A_12 = arith.cmpi sgt, %jit3A, %sign3A_11 : i32
    %sign3A_13 = arith.extui %sign3A_12 : i1 to i32
    %sign3A_14 = arith.constant 0 : i32
    %sign3A_15 = arith.cmpi slt, %jit3A, %sign3A_14 : i32
    %sign3A_16 = arith.extui %sign3A_15 : i1 to i32
    %sign3A_17 = arith.subi %sign3A_13, %sign3A_16 : i32
    %ne3A = arith.cmpi ne, %sign3A_10, %sign3A_17 : i32
    %rem3A = arith.remsi %add3A_4, %jit3A : i32
    %ne3A_18 = arith.constant 0 : i32
    %ne3A_19 = arith.cmpi ne, %rem3A, %ne3A_18 : i32
    %and3A = arith.andi %ne3A, %ne3A_19 : i1
    %sub3A = arith.constant 1 : i32
    %sub3A_20 = arith.subi %div3A, %sub3A : i32
    %select_n3A = arith.select %and3A, %sub3A_20, %div3A : i32
    %jit3A_21 = arith.constant 256 : i32
    %eq3A = arith.constant 0 : i32
    %eq3A_22 = arith.cmpi eq, %jit3A_21, %eq3A : i32
    %jit3A_23 = arith.constant 1 : i32
    %select_n3A_24 = arith.select %eq3A_22, %jit3A_23, %jit3A_21 : i32
    %rem3A_25 = arith.remsi %add3A_4, %select_n3A_24 : i32
    %ne3A_26 = arith.constant 0 : i32
    %ne3A_27 = arith.cmpi ne, %rem3A_25, %ne3A_26 : i32
    %lt3A = arith.constant 0 : i32
    %lt3A_28 = arith.cmpi slt, %rem3A_25, %lt3A : i32
    %lt3A_29 = arith.constant 0 : i32
    %lt3A_30 = arith.cmpi slt, %select_n3A_24, %lt3A_29 : i32
    %ne3A_31 = arith.xori %lt3A_28, %lt3A_30 : i1
    %and3A_32 = arith.andi %ne3A_31, %ne3A_27 : i1
    %add3A_33 = arith.addi %rem3A_25, %select_n3A_24 : i32
    %select_n3A_34 = arith.select %and3A_32, %add3A_33, %rem3A_25 : i32
    %get3A = arith.index_cast %select_n3A_34 : i32 to index
    %get3A_35 = tpu.vector_load %arg8[%get3A] {strides = array<i32>} : memref<256xi32, #tpu.memory_space<vmem>>, vector<16xi32>,
    %get3A_36 = vector.shape_cast %get3A_35 : vector<16xi32> to vector<16xi32>
    %mul3A_37 = arith.constant 384 : i32
    %mul3A_38 = arith.muli %select_n3A, %mul3A_37 : i32
    %add3A_39 = vector.broadcast %mul3A_38 : i32 to vector<16xi32>
    %add3A_40 = arith.addi %get3A_36, %add3A_39 : vector<16xi32>
    %swap3A = arith.constant 0 : index
    %swap3A_41 = tpu.vector_load %arg10[%swap3A] {strides = array<i32>} : memref<16xi32, #tpu.memory_space<vmem>>, vector<16xi32>,
    %swap3A_42 = vector.shape_cast %swap3A_41 : vector<16xi32> to vector<16xi32>
    %swap3A_43 = vector.shape_cast %add3A_40 : vector<16xi32> to vector<16xi32>
    tpu.vector_store %arg10[%swap3A], %swap3A_43 {strides = array<i32>} : memref<16xi32, #tpu.memory_space<vmem>>, vector<16xi32>,
    %dma_start3A = arith.constant 0 : i32
    %dma_start3A_44 = arith.constant 0 : i32
    %dma_start3A_45 = tpu.memref_slice %arg2[%dma_start3A, %dma_start3A_44] : memref<3072x2304xf32, #tpu.memory_space<hbm>> -> memref<3072x2304xf32, #tpu.memory_space<hbm>>
    tpu.enqueue_indirect_dma source(%dma_start3A_45 : memref<3072x2304xf32, #tpu.memory_space<hbm>>) target(%arg12 : memref<16x2304xf32, #tpu.memory_space<vmem>>) offsets(%arg10 : memref<16xi32, #tpu.memory_space<vmem>>) semaphore(%arg14 : memref<!tpu.dma_semaphore, #tpu.memory_space<semaphore_mem>>)
    %dma_wait3A = arith.constant 0 : i32
    %dma_wait3A_46 = arith.constant 0 : i32
    %dma_wait3A_47 = tpu.memref_slice %arg2[%dma_wait3A, %dma_wait3A_46] : memref<3072x2304xf32, #tpu.memory_space<hbm>> -> memref<3072x2304xf32, #tpu.memory_space<hbm>>
    tpu.wait_indirect_dma semaphore(%arg14 : memref<!tpu.dma_semaphore, #tpu.memory_space<semaphore_mem>>) src(%dma_wait3A_47 : memref<3072x2304xf32, #tpu.memory_space<hbm>>) dst(%arg12 : memref<16x2304xf32, #tpu.memory_space<vmem>>)
    "tpu.region"() ({
      %run_scoped3A = tpu.sem_alloc : memref<!tpu.dma_semaphore, #tpu.memory_space<semaphore_mem>>
      %dma_start3A_435 = arith.constant 0 : i32
      %dma_start3A_436 = tpu.memref_slice %arg6[%add3A_4, %dma_start3A_435] : memref<2048x2304xf32, #tpu.memory_space<hbm>> -> memref<16x2304xf32, #tpu.memory_space<hbm>>
      %dma_start3A_437 = arith.constant 0 : i32
      %dma_start3A_438 = tpu.memref_slice %arg6[%add3A_4, %dma_start3A_437] : memref<2048x2304xf32, #tpu.memory_space<hbm>> -> memref<16x2304xf32, #tpu.memory_space<hbm>>
      tpu.enqueue_dma source(%arg12 : memref<16x2304xf32, #tpu.memory_space<vmem>>) target(%dma_start3A_438 : memref<16x2304xf32, #tpu.memory_space<hbm>>) target_semaphore(%run_scoped3A : memref<!tpu.dma_semaphore, #tpu.memory_space<semaphore_mem>>)
      %dma_wait3A_439 = arith.constant 0 : i32
      %dma_wait3A_440 = tpu.memref_slice %arg6[%add3A_4, %dma_wait3A_439] : memref<2048x2304xf32, #tpu.memory_space<hbm>> -> memref<16x2304xf32, #tpu.memory_space<hbm>>
      %dma_wait3A_441 = arith.constant 0 : i32
      %dma_wait3A_442 = tpu.memref_slice %arg6[%add3A_4, %dma_wait3A_441] : memref<2048x2304xf32, #tpu.memory_space<hbm>> -> memref<16x2304xf32, #tpu.memory_space<hbm>>
      tpu.wait_dma2 semaphore(%run_scoped3A : memref<!tpu.dma_semaphore, #tpu.memory_space<semaphore_mem>>) src(%arg12 : memref<16x2304xf32, #tpu.memory_space<vmem>>) dst(%dma_wait3A_442 : memref<16x2304xf32, #tpu.memory_space<hbm>>)
      tpu.yield
    }) : () -> ()
    %mul3A_48 = arith.constant 64 : i32
    %mul3A_49 = arith.muli %add3A, %mul3A_48 : i32
    %add3A_50 = arith.constant 16 : i32
    %add3A_51 = arith.addi %mul3A_49, %add3A_50 : i32
    %jit3A_52 = arith.constant 256 : i32
    %div3A_53 = arith.divsi %add3A_51, %jit3A_52 : i32
    %sign3A_54 = arith.constant 0 : i32
    %sign3A_55 = arith.cmpi sgt, %add3A_51, %sign3A_54 : i32
    %sign3A_56 = arith.extui %sign3A_55 : i1 to i32
    %sign3A_57 = arith.constant 0 : i32
    %sign3A_58 = arith.cmpi slt, %add3A_51, %sign3A_57 : i32
    %sign3A_59 = arith.extui %sign3A_58 : i1 to i32
    %sign3A_60 = arith.subi %sign3A_56, %sign3A_59 : i32
    %sign3A_61 = arith.constant 0 : i32
    %sign3A_62 = arith.cmpi sgt, %jit3A_52, %sign3A_61 : i32
    %sign3A_63 = arith.extui %sign3A_62 : i1 to i32
    %sign3A_64 = arith.constant 0 : i32
    %sign3A_65 = arith.cmpi slt, %jit3A_52, %sign3A_64 : i32
    %sign3A_66 = arith.extui %sign3A_65 : i1 to i32
    %sign3A_67 = arith.subi %sign3A_63, %sign3A_66 : i32
    %ne3A_68 = arith.cmpi ne, %sign3A_60, %sign3A_67 : i32
    %rem3A_69 = arith.remsi %add3A_51, %jit3A_52 : i32
    %ne3A_70 = arith.constant 0 : i32
    %ne3A_71 = arith.cmpi ne, %rem3A_69, %ne3A_70 : i32
    %and3A_72 = arith.andi %ne3A_68, %ne3A_71 : i1
    %sub3A_73 = arith.constant 1 : i32
    %sub3A_74 = arith.subi %div3A_53, %sub3A_73 : i32
    %select_n3A_75 = arith.select %and3A_72, %sub3A_74, %div3A_53 : i32
    %jit3A_76 = arith.constant 256 : i32
    %eq3A_77 = arith.constant 0 : i32
    %eq3A_78 = arith.cmpi eq, %jit3A_76, %eq3A_77 : i32
    %jit3A_79 = arith.constant 1 : i32
    %select_n3A_80 = arith.select %eq3A_78, %jit3A_79, %jit3A_76 : i32
    %rem3A_81 = arith.remsi %add3A_51, %select_n3A_80 : i32
    %ne3A_82 = arith.constant 0 : i32
    %ne3A_83 = arith.cmpi ne, %rem3A_81, %ne3A_82 : i32
    %lt3A_84 = arith.constant 0 : i32
    %lt3A_85 = arith.cmpi slt, %rem3A_81, %lt3A_84 : i32
    %lt3A_86 = arith.constant 0 : i32
    %lt3A_87 = arith.cmpi slt, %select_n3A_80, %lt3A_86 : i32
    %ne3A_88 = arith.xori %lt3A_85, %lt3A_87 : i1
    %and3A_89 = arith.andi %ne3A_88, %ne3A_83 : i1
    %add3A_90 = arith.addi %rem3A_81, %select_n3A_80 : i32
    %select_n3A_91 = arith.select %and3A_89, %add3A_90, %rem3A_81 : i32
    %get3A_92 = arith.index_cast %select_n3A_91 : i32 to index
    %get3A_93 = tpu.vector_load %arg8[%get3A_92] {strides = array<i32>} : memref<256xi32, #tpu.memory_space<vmem>>, vector<16xi32>,
    %get3A_94 = vector.shape_cast %get3A_93 : vector<16xi32> to vector<16xi32>
    %mul3A_95 = arith.constant 384 : i32
    %mul3A_96 = arith.muli %select_n3A_75, %mul3A_95 : i32
    %add3A_97 = vector.broadcast %mul3A_96 : i32 to vector<16xi32>
    %add3A_98 = arith.addi %get3A_94, %add3A_97 : vector<16xi32>
    %swap3A_99 = arith.constant 0 : index
    %swap3A_100 = tpu.vector_load %arg10[%swap3A_99] {strides = array<i32>} : memref<16xi32, #tpu.memory_space<vmem>>, vector<16xi32>,
    %swap3A_101 = vector.shape_cast %swap3A_100 : vector<16xi32> to vector<16xi32>
    %swap3A_102 = vector.shape_cast %add3A_98 : vector<16xi32> to vector<16xi32>
    tpu.vector_store %arg10[%swap3A_99], %swap3A_102 {strides = array<i32>} : memref<16xi32, #tpu.memory_space<vmem>>, vector<16xi32>,
    %dma_start3A_103 = arith.constant 0 : i32
    %dma_start3A_104 = arith.constant 0 : i32
    %dma_start3A_105 = tpu.memref_slice %arg2[%dma_start3A_103, %dma_start3A_104] : memref<3072x2304xf32, #tpu.memory_space<hbm>> -> memref<3072x2304xf32, #tpu.memory_space<hbm>>
    tpu.enqueue_indirect_dma source(%dma_start3A_105 : memref<3072x2304xf32, #tpu.memory_space<hbm>>) target(%arg12 : memref<16x2304xf32, #tpu.memory_space<vmem>>) offsets(%arg10 : memref<16xi32, #tpu.memory_space<vmem>>) semaphore(%arg14 : memref<!tpu.dma_semaphore, #tpu.memory_space<semaphore_mem>>)
    %dma_wait3A_106 = arith.constant 0 : i32
    %dma_wait3A_107 = arith.constant 0 : i32
    %dma_wait3A_108 = tpu.memref_slice %arg2[%dma_wait3A_106, %dma_wait3A_107] : memref<3072x2304xf32, #tpu.memory_space<hbm>> -> memref<3072x2304xf32, #tpu.memory_space<hbm>>
    tpu.wait_indirect_dma semaphore(%arg14 : memref<!tpu.dma_semaphore, #tpu.memory_space<semaphore_mem>>) src(%dma_wait3A_108 : memref<3072x2304xf32, #tpu.memory_space<hbm>>) dst(%arg12 : memref<16x2304xf32, #tpu.memory_space<vmem>>)
    "tpu.region"() ({
      %run_scoped3A = tpu.sem_alloc : memref<!tpu.dma_semaphore, #tpu.memory_space<semaphore_mem>>
      %dma_start3A_435 = arith.constant 0 : i32
      %dma_start3A_436 = tpu.memref_slice %arg6[%add3A_51, %dma_start3A_435] : memref<2048x2304xf32, #tpu.memory_space<hbm>> -> memref<16x2304xf32, #tpu.memory_space<hbm>>
      %dma_start3A_437 = arith.constant 0 : i32
      %dma_start3A_438 = tpu.memref_slice %arg6[%add3A_51, %dma_start3A_437] : memref<2048x2304xf32, #tpu.memory_space<hbm>> -> memref<16x2304xf32, #tpu.memory_space<hbm>>
      tpu.enqueue_dma source(%arg12 : memref<16x2304xf32, #tpu.memory_space<vmem>>) target(%dma_start3A_438 : memref<16x2304xf32, #tpu.memory_space<hbm>>) target_semaphore(%run_scoped3A : memref<!tpu.dma_semaphore, #tpu.memory_space<semaphore_mem>>)
      %dma_wait3A_439 = arith.constant 0 : i32
      %dma_wait3A_440 = tpu.memref_slice %arg6[%add3A_51, %dma_wait3A_439] : memref<2048x2304xf32, #tpu.memory_space<hbm>> -> memref<16x2304xf32, #tpu.memory_space<hbm>>
      %dma_wait3A_441 = arith.constant 0 : i32
      %dma_wait3A_442 = tpu.memref_slice %arg6[%add3A_51, %dma_wait3A_441] : memref<2048x2304xf32, #tpu.memory_space<hbm>> -> memref<16x2304xf32, #tpu.memory_space<hbm>>
      tpu.wait_dma2 semaphore(%run_scoped3A : memref<!tpu.dma_semaphore, #tpu.memory_space<semaphore_mem>>) src(%arg12 : memref<16x2304xf32, #tpu.memory_space<vmem>>) dst(%dma_wait3A_442 : memref<16x2304xf32, #tpu.memory_space<hbm>>)
      tpu.yield
    }) : () -> ()
    %mul3A_109 = arith.constant 64 : i32
    %mul3A_110 = arith.muli %add3A, %mul3A_109 : i32
    %add3A_111 = arith.constant 32 : i32
    %add3A_112 = arith.addi %mul3A_110, %add3A_111 : i32
    %jit3A_113 = arith.constant 256 : i32
    %div3A_114 = arith.divsi %add3A_112, %jit3A_113 : i32
    %sign3A_115 = arith.constant 0 : i32
    %sign3A_116 = arith.cmpi sgt, %add3A_112, %sign3A_115 : i32
    %sign3A_117 = arith.extui %sign3A_116 : i1 to i32
    %sign3A_118 = arith.constant 0 : i32
    %sign3A_119 = arith.cmpi slt, %add3A_112, %sign3A_118 : i32
    %sign3A_120 = arith.extui %sign3A_119 : i1 to i32
    %sign3A_121 = arith.subi %sign3A_117, %sign3A_120 : i32
    %sign3A_122 = arith.constant 0 : i32
    %sign3A_123 = arith.cmpi sgt, %jit3A_113, %sign3A_122 : i32
    %sign3A_124 = arith.extui %sign3A_123 : i1 to i32
    %sign3A_125 = arith.constant 0 : i32
    %sign3A_126 = arith.cmpi slt, %jit3A_113, %sign3A_125 : i32
    %sign3A_127 = arith.extui %sign3A_126 : i1 to i32
    %sign3A_128 = arith.subi %sign3A_124, %sign3A_127 : i32
    %ne3A_129 = arith.cmpi ne, %sign3A_121, %sign3A_128 : i32
    %rem3A_130 = arith.remsi %add3A_112, %jit3A_113 : i32
    %ne3A_131 = arith.constant 0 : i32
    %ne3A_132 = arith.cmpi ne, %rem3A_130, %ne3A_131 : i32
    %and3A_133 = arith.andi %ne3A_129, %ne3A_132 : i1
    %sub3A_134 = arith.constant 1 : i32
    %sub3A_135 = arith.subi %div3A_114, %sub3A_134 : i32
    %select_n3A_136 = arith.select %and3A_133, %sub3A_135, %div3A_114 : i32
    %jit3A_137 = arith.constant 256 : i32
    %eq3A_138 = arith.constant 0 : i32
    %eq3A_139 = arith.cmpi eq, %jit3A_137, %eq3A_138 : i32
    %jit3A_140 = arith.constant 1 : i32
    %select_n3A_141 = arith.select %eq3A_139, %jit3A_140, %jit3A_137 : i32
    %rem3A_142 = arith.remsi %add3A_112, %select_n3A_141 : i32
    %ne3A_143 = arith.constant 0 : i32
    %ne3A_144 = arith.cmpi ne, %rem3A_142, %ne3A_143 : i32
    %lt3A_145 = arith.constant 0 : i32
    %lt3A_146 = arith.cmpi slt, %rem3A_142, %lt3A_145 : i32
    %lt3A_147 = arith.constant 0 : i32
    %lt3A_148 = arith.cmpi slt, %select_n3A_141, %lt3A_147 : i32
    %ne3A_149 = arith.xori %lt3A_146, %lt3A_148 : i1
    %and3A_150 = arith.andi %ne3A_149, %ne3A_144 : i1
    %add3A_151 = arith.addi %rem3A_142, %select_n3A_141 : i32
    %select_n3A_152 = arith.select %and3A_150, %add3A_151, %rem3A_142 : i32
    %get3A_153 = arith.index_cast %select_n3A_152 : i32 to index
    %get3A_154 = tpu.vector_load %arg8[%get3A_153] {strides = array<i32>} : memref<256xi32, #tpu.memory_space<vmem>>, vector<16xi32>,
    %get3A_155 = vector.shape_cast %get3A_154 : vector<16xi32> to vector<16xi32>
    %mul3A_156 = arith.constant 384 : i32
    %mul3A_157 = arith.muli %select_n3A_136, %mul3A_156 : i32
    %add3A_158 = vector.broadcast %mul3A_157 : i32 to vector<16xi32>
    %add3A_159 = arith.addi %get3A_155, %add3A_158 : vector<16xi32>
    %swap3A_160 = arith.constant 0 : index
    %swap3A_161 = tpu.vector_load %arg10[%swap3A_160] {strides = array<i32>} : memref<16xi32, #tpu.memory_space<vmem>>, vector<16xi32>,
    %swap3A_162 = vector.shape_cast %swap3A_161 : vector<16xi32> to vector<16xi32>
    %swap3A_163 = vector.shape_cast %add3A_159 : vector<16xi32> to vector<16xi32>
    tpu.vector_store %arg10[%swap3A_160], %swap3A_163 {strides = array<i32>} : memref<16xi32, #tpu.memory_space<vmem>>, vector<16xi32>,
    %dma_start3A_164 = arith.constant 0 : i32
    %dma_start3A_165 = arith.constant 0 : i32
    %dma_start3A_166 = tpu.memref_slice %arg2[%dma_start3A_164, %dma_start3A_165] : memref<3072x2304xf32, #tpu.memory_space<hbm>> -> memref<3072x2304xf32, #tpu.memory_space<hbm>>
    tpu.enqueue_indirect_dma source(%dma_start3A_166 : memref<3072x2304xf32, #tpu.memory_space<hbm>>) target(%arg12 : memref<16x2304xf32, #tpu.memory_space<vmem>>) offsets(%arg10 : memref<16xi32, #tpu.memory_space<vmem>>) semaphore(%arg14 : memref<!tpu.dma_semaphore, #tpu.memory_space<semaphore_mem>>)
    %dma_wait3A_167 = arith.constant 0 : i32
    %dma_wait3A_168 = arith.constant 0 : i32
    %dma_wait3A_169 = tpu.memref_slice %arg2[%dma_wait3A_167, %dma_wait3A_168] : memref<3072x2304xf32, #tpu.memory_space<hbm>> -> memref<3072x2304xf32, #tpu.memory_space<hbm>>
    tpu.wait_indirect_dma semaphore(%arg14 : memref<!tpu.dma_semaphore, #tpu.memory_space<semaphore_mem>>) src(%dma_wait3A_169 : memref<3072x2304xf32, #tpu.memory_space<hbm>>) dst(%arg12 : memref<16x2304xf32, #tpu.memory_space<vmem>>)
    "tpu.region"() ({
      %run_scoped3A = tpu.sem_alloc : memref<!tpu.dma_semaphore, #tpu.memory_space<semaphore_mem>>
      %dma_start3A_435 = arith.constant 0 : i32
      %dma_start3A_436 = tpu.memref_slice %arg6[%add3A_112, %dma_start3A_435] : memref<2048x2304xf32, #tpu.memory_space<hbm>> -> memref<16x2304xf32, #tpu.memory_space<hbm>>
      %dma_start3A_437 = arith.constant 0 : i32
      %dma_start3A_438 = tpu.memref_slice %arg6[%add3A_112, %dma_start3A_437] : memref<2048x2304xf32, #tpu.memory_space<hbm>> -> memref<16x2304xf32, #tpu.memory_space<hbm>>
      tpu.enqueue_dma source(%arg12 : memref<16x2304xf32, #tpu.memory_space<vmem>>) target(%dma_start3A_438 : memref<16x2304xf32, #tpu.memory_space<hbm>>) target_semaphore(%run_scoped3A : memref<!tpu.dma_semaphore, #tpu.memory_space<semaphore_mem>>)
      %dma_wait3A_439 = arith.constant 0 : i32
      %dma_wait3A_440 = tpu.memref_slice %arg6[%add3A_112, %dma_wait3A_439] : memref<2048x2304xf32, #tpu.memory_space<hbm>> -> memref<16x2304xf32, #tpu.memory_space<hbm>>
      %dma_wait3A_441 = arith.constant 0 : i32
      %dma_wait3A_442 = tpu.memref_slice %arg6[%add3A_112, %dma_wait3A_441] : memref<2048x2304xf32, #tpu.memory_space<hbm>> -> memref<16x2304xf32, #tpu.memory_space<hbm>>
      tpu.wait_dma2 semaphore(%run_scoped3A : memref<!tpu.dma_semaphore, #tpu.memory_space<semaphore_mem>>) src(%arg12 : memref<16x2304xf32, #tpu.memory_space<vmem>>) dst(%dma_wait3A_442 : memref<16x2304xf32, #tpu.memory_space<hbm>>)
      tpu.yield
    }) : () -> ()
    %mul3A_170 = arith.constant 64 : i32
    %mul3A_171 = arith.muli %add3A, %mul3A_170 : i32
    %add3A_172 = arith.constant 48 : i32
    %add3A_173 = arith.addi %mul3A_171, %add3A_172 : i32
    %jit3A_174 = arith.constant 256 : i32
    %div3A_175 = arith.divsi %add3A_173, %jit3A_174 : i32
    %sign3A_176 = arith.constant 0 : i32
    %sign3A_177 = arith.cmpi sgt, %add3A_173, %sign3A_176 : i32
    %sign3A_178 = arith.extui %sign3A_177 : i1 to i32
    %sign3A_179 = arith.constant 0 : i32
    %sign3A_180 = arith.cmpi slt, %add3A_173, %sign3A_179 : i32
    %sign3A_181 = arith.extui %sign3A_180 : i1 to i32
    %sign3A_182 = arith.subi %sign3A_178, %sign3A_181 : i32
    %sign3A_183 = arith.constant 0 : i32
    %sign3A_184 = arith.cmpi sgt, %jit3A_174, %sign3A_183 : i32
    %sign3A_185 = arith.extui %sign3A_184 : i1 to i32
    %sign3A_186 = arith.constant 0 : i32
    %sign3A_187 = arith.cmpi slt, %jit3A_174, %sign3A_186 : i32
    %sign3A_188 = arith.extui %sign3A_187 : i1 to i32
    %sign3A_189 = arith.subi %sign3A_185, %sign3A_188 : i32
    %ne3A_190 = arith.cmpi ne, %sign3A_182, %sign3A_189 : i32
    %rem3A_191 = arith.remsi %add3A_173, %jit3A_174 : i32
    %ne3A_192 = arith.constant 0 : i32
    %ne3A_193 = arith.cmpi ne, %rem3A_191, %ne3A_192 : i32
    %and3A_194 = arith.andi %ne3A_190, %ne3A_193 : i1
    %sub3A_195 = arith.constant 1 : i32
    %sub3A_196 = arith.subi %div3A_175, %sub3A_195 : i32
    %select_n3A_197 = arith.select %and3A_194, %sub3A_196, %div3A_175 : i32
    %jit3A_198 = arith.constant 256 : i32
    %eq3A_199 = arith.constant 0 : i32
    %eq3A_200 = arith.cmpi eq, %jit3A_198, %eq3A_199 : i32
    %jit3A_201 = arith.constant 1 : i32
    %select_n3A_202 = arith.select %eq3A_200, %jit3A_201, %jit3A_198 : i32
    %rem3A_203 = arith.remsi %add3A_173, %select_n3A_202 : i32
    %ne3A_204 = arith.constant 0 : i32
    %ne3A_205 = arith.cmpi ne, %rem3A_203, %ne3A_204 : i32
    %lt3A_206 = arith.constant 0 : i32
    %lt3A_207 = arith.cmpi slt, %rem3A_203, %lt3A_206 : i32
    %lt3A_208 = arith.constant 0 : i32
    %lt3A_209 = arith.cmpi slt, %select_n3A_202, %lt3A_208 : i32
    %ne3A_210 = arith.xori %lt3A_207, %lt3A_209 : i1
    %and3A_211 = arith.andi %ne3A_210, %ne3A_205 : i1
    %add3A_212 = arith.addi %rem3A_203, %select_n3A_202 : i32
    %select_n3A_213 = arith.select %and3A_211, %add3A_212, %rem3A_203 : i32
    %get3A_214 = arith.index_cast %select_n3A_213 : i32 to index
    %get3A_215 = tpu.vector_load %arg8[%get3A_214] {strides = array<i32>} : memref<256xi32, #tpu.memory_space<vmem>>, vector<16xi32>,
    %get3A_216 = vector.shape_cast %get3A_215 : vector<16xi32> to vector<16xi32>
    %mul3A_217 = arith.constant 384 : i32
    %mul3A_218 = arith.muli %select_n3A_197, %mul3A_217 : i32
    %add3A_219 = vector.broadcast %mul3A_218 : i32 to vector<16xi32>
    %add3A_220 = arith.addi %get3A_216, %add3A_219 : vector<16xi32>
    %swap3A_221 = arith.constant 0 : index
    %swap3A_222 = tpu.vector_load %arg10[%swap3A_221] {strides = array<i32>} : memref<16xi32, #tpu.memory_space<vmem>>, vector<16xi32>,
    %swap3A_223 = vector.shape_cast %swap3A_222 : vector<16xi32> to vector<16xi32>
    %swap3A_224 = vector.shape_cast %add3A_220 : vector<16xi32> to vector<16xi32>
    tpu.vector_store %arg10[%swap3A_221], %swap3A_224 {strides = array<i32>} : memref<16xi32, #tpu.memory_space<vmem>>, vector<16xi32>,
    %dma_start3A_225 = arith.constant 0 : i32
    %dma_start3A_226 = arith.constant 0 : i32
    %dma_start3A_227 = tpu.memref_slice %arg2[%dma_start3A_225, %dma_start3A_226] : memref<3072x2304xf32, #tpu.memory_space<hbm>> -> memref<3072x2304xf32, #tpu.memory_space<hbm>>
    tpu.enqueue_indirect_dma source(%dma_start3A_227 : memref<3072x2304xf32, #tpu.memory_space<hbm>>) target(%arg12 : memref<16x2304xf32, #tpu.memory_space<vmem>>) offsets(%arg10 : memref<16xi32, #tpu.memory_space<vmem>>) semaphore(%arg14 : memref<!tpu.dma_semaphore, #tpu.memory_space<semaphore_mem>>)
    %dma_wait3A_228 = arith.constant 0 : i32
    %dma_wait3A_229 = arith.constant 0 : i32
    %dma_wait3A_230 = tpu.memref_slice %arg2[%dma_wait3A_228, %dma_wait3A_229] : memref<3072x2304xf32, #tpu.memory_space<hbm>> -> memref<3072x2304xf32, #tpu.memory_space<hbm>>
    tpu.wait_indirect_dma semaphore(%arg14 : memref<!tpu.dma_semaphore, #tpu.memory_space<semaphore_mem>>) src(%dma_wait3A_230 : memref<3072x2304xf32, #tpu.memory_space<hbm>>) dst(%arg12 : memref<16x2304xf32, #tpu.memory_space<vmem>>)
    "tpu.region"() ({
      %run_scoped3A = tpu.sem_alloc : memref<!tpu.dma_semaphore, #tpu.memory_space<semaphore_mem>>
      %dma_start3A_435 = arith.constant 0 : i32
      %dma_start3A_436 = tpu.memref_slice %arg6[%add3A_173, %dma_start3A_435] : memref<2048x2304xf32, #tpu.memory_space<hbm>> -> memref<16x2304xf32, #tpu.memory_space<hbm>>
      %dma_start3A_437 = arith.constant 0 : i32
      %dma_start3A_438 = tpu.memref_slice %arg6[%add3A_173, %dma_start3A_437] : memref<2048x2304xf32, #tpu.memory_space<hbm>> -> memref<16x2304xf32, #tpu.memory_space<hbm>>
      tpu.enqueue_dma source(%arg12 : memref<16x2304xf32, #tpu.memory_space<vmem>>) target(%dma_start3A_438 : memref<16x2304xf32, #tpu.memory_space<hbm>>) target_semaphore(%run_scoped3A : memref<!tpu.dma_semaphore, #tpu.memory_space<semaphore_mem>>)
      %dma_wait3A_439 = arith.constant 0 : i32
      %dma_wait3A_440 = tpu.memref_slice %arg6[%add3A_173, %dma_wait3A_439] : memref<2048x2304xf32, #tpu.memory_space<hbm>> -> memref<16x2304xf32, #tpu.memory_space<hbm>>
      %dma_wait3A_441 = arith.constant 0 : i32
      %dma_wait3A_442 = tpu.memref_slice %arg6[%add3A_173, %dma_wait3A_441] : memref<2048x2304xf32, #tpu.memory_space<hbm>> -> memref<16x2304xf32, #tpu.memory_space<hbm>>
      tpu.wait_dma2 semaphore(%run_scoped3A : memref<!tpu.dma_semaphore, #tpu.memory_space<semaphore_mem>>) src(%arg12 : memref<16x2304xf32, #tpu.memory_space<vmem>>) dst(%dma_wait3A_442 : memref<16x2304xf32, #tpu.memory_space<hbm>>)
      tpu.yield
    }) : () -> ()
    %mul3A_231 = arith.constant 128 : i32
    %mul3A_232 = arith.muli %add3A, %mul3A_231 : i32
    %add3A_233 = arith.constant 0 : i32
    %add3A_234 = arith.addi %mul3A_232, %add3A_233 : i32
    %jit3A_235 = arith.constant 512 : i32
    %div3A_236 = arith.divsi %add3A_234, %jit3A_235 : i32
    %sign3A_237 = arith.constant 0 : i32
    %sign3A_238 = arith.cmpi sgt, %add3A_234, %sign3A_237 : i32
    %sign3A_239 = arith.extui %sign3A_238 : i1 to i32
    %sign3A_240 = arith.constant 0 : i32
    %sign3A_241 = arith.cmpi slt, %add3A_234, %sign3A_240 : i32
    %sign3A_242 = arith.extui %sign3A_241 : i1 to i32
    %sign3A_243 = arith.subi %sign3A_239, %sign3A_242 : i32
    %sign3A_244 = arith.constant 0 : i32
    %sign3A_245 = arith.cmpi sgt, %jit3A_235, %sign3A_244 : i32
    %sign3A_246 = arith.extui %sign3A_245 : i1 to i32
    %sign3A_247 = arith.constant 0 : i32
    %sign3A_248 = arith.cmpi slt, %jit3A_235, %sign3A_247 : i32
    %sign3A_249 = arith.extui %sign3A_248 : i1 to i32
    %sign3A_250 = arith.subi %sign3A_246, %sign3A_249 : i32
    %ne3A_251 = arith.cmpi ne, %sign3A_243, %sign3A_250 : i32
    %rem3A_252 = arith.remsi %add3A_234, %jit3A_235 : i32
    %ne3A_253 = arith.constant 0 : i32
    %ne3A_254 = arith.cmpi ne, %rem3A_252, %ne3A_253 : i32
    %and3A_255 = arith.andi %ne3A_251, %ne3A_254 : i1
    %sub3A_256 = arith.constant 1 : i32
    %sub3A_257 = arith.subi %div3A_236, %sub3A_256 : i32
    %select_n3A_258 = arith.select %and3A_255, %sub3A_257, %div3A_236 : i32
    %jit3A_259 = arith.constant 512 : i32
    %eq3A_260 = arith.constant 0 : i32
    %eq3A_261 = arith.cmpi eq, %jit3A_259, %eq3A_260 : i32
    %jit3A_262 = arith.constant 1 : i32
    %select_n3A_263 = arith.select %eq3A_261, %jit3A_262, %jit3A_259 : i32
    %rem3A_264 = arith.remsi %add3A_234, %select_n3A_263 : i32
    %ne3A_265 = arith.constant 0 : i32
    %ne3A_266 = arith.cmpi ne, %rem3A_264, %ne3A_265 : i32
    %lt3A_267 = arith.constant 0 : i32
    %lt3A_268 = arith.cmpi slt, %rem3A_264, %lt3A_267 : i32
    %lt3A_269 = arith.constant 0 : i32
    %lt3A_270 = arith.cmpi slt, %select_n3A_263, %lt3A_269 : i32
    %ne3A_271 = arith.xori %lt3A_268, %lt3A_270 : i1
    %and3A_272 = arith.andi %ne3A_271, %ne3A_266 : i1
    %add3A_273 = arith.addi %rem3A_264, %select_n3A_263 : i32
    %select_n3A_274 = arith.select %and3A_272, %add3A_273, %rem3A_264 : i32
    %add3A_275 = arith.constant 0 : i32
    %add3A_276 = arith.addi %select_n3A_274, %add3A_275 : i32
    %get3A_277 = arith.index_cast %add3A_276 : i32 to index
    %get3A_278 = tpu.vector_load %arg9[%get3A_277] {strides = array<i32>} : memref<512xi32, #tpu.memory_space<vmem>>, vector<16xi32>,
    %get3A_279 = vector.shape_cast %get3A_278 : vector<16xi32> to vector<16xi32>
    %mul3A_280 = arith.constant 768 : i32
    %mul3A_281 = arith.muli %select_n3A_258, %mul3A_280 : i32
    %add3A_282 = vector.broadcast %mul3A_281 : i32 to vector<16xi32>
    %add3A_283 = arith.addi %get3A_279, %add3A_282 : vector<16xi32>
    %swap3A_284 = arith.constant 0 : index
    %swap3A_285 = tpu.vector_load %arg11[%swap3A_284] {strides = array<i32>} : memref<64xi32, #tpu.memory_space<vmem>>, vector<16xi32>,
    %swap3A_286 = vector.shape_cast %swap3A_285 : vector<16xi32> to vector<16xi32>
    %swap3A_287 = vector.shape_cast %add3A_283 : vector<16xi32> to vector<16xi32>
    tpu.vector_store %arg11[%swap3A_284], %swap3A_287 {strides = array<i32>} : memref<64xi32, #tpu.memory_space<vmem>>, vector<16xi32>,
    %add3A_288 = arith.constant 16 : i32
    %add3A_289 = arith.addi %select_n3A_274, %add3A_288 : i32
    %get3A_290 = arith.index_cast %add3A_289 : i32 to index
    %get3A_291 = tpu.vector_load %arg9[%get3A_290] {strides = array<i32>} : memref<512xi32, #tpu.memory_space<vmem>>, vector<16xi32>,
    %get3A_292 = vector.shape_cast %get3A_291 : vector<16xi32> to vector<16xi32>
    %mul3A_293 = arith.constant 768 : i32
    %mul3A_294 = arith.muli %select_n3A_258, %mul3A_293 : i32
    %add3A_295 = vector.broadcast %mul3A_294 : i32 to vector<16xi32>
    %add3A_296 = arith.addi %get3A_292, %add3A_295 : vector<16xi32>
    %swap3A_297 = arith.constant 16 : index
    %swap3A_298 = tpu.vector_load %arg11[%swap3A_297] {strides = array<i32>} : memref<64xi32, #tpu.memory_space<vmem>>, vector<16xi32>,
    %swap3A_299 = vector.shape_cast %swap3A_298 : vector<16xi32> to vector<16xi32>
    %swap3A_300 = vector.shape_cast %add3A_296 : vector<16xi32> to vector<16xi32>
    tpu.vector_store %arg11[%swap3A_297], %swap3A_300 {strides = array<i32>} : memref<64xi32, #tpu.memory_space<vmem>>, vector<16xi32>,
    %add3A_301 = arith.constant 32 : i32
    %add3A_302 = arith.addi %select_n3A_274, %add3A_301 : i32
    %get3A_303 = arith.index_cast %add3A_302 : i32 to index
    %get3A_304 = tpu.vector_load %arg9[%get3A_303] {strides = array<i32>} : memref<512xi32, #tpu.memory_space<vmem>>, vector<16xi32>,
    %get3A_305 = vector.shape_cast %get3A_304 : vector<16xi32> to vector<16xi32>
    %mul3A_306 = arith.constant 768 : i32
    %mul3A_307 = arith.muli %select_n3A_258, %mul3A_306 : i32
    %add3A_308 = vector.broadcast %mul3A_307 : i32 to vector<16xi32>
    %add3A_309 = arith.addi %get3A_305, %add3A_308 : vector<16xi32>
    %swap3A_310 = arith.constant 32 : index
    %swap3A_311 = tpu.vector_load %arg11[%swap3A_310] {strides = array<i32>} : memref<64xi32, #tpu.memory_space<vmem>>, vector<16xi32>,
    %swap3A_312 = vector.shape_cast %swap3A_311 : vector<16xi32> to vector<16xi32>
    %swap3A_313 = vector.shape_cast %add3A_309 : vector<16xi32> to vector<16xi32>
    tpu.vector_store %arg11[%swap3A_310], %swap3A_313 {strides = array<i32>} : memref<64xi32, #tpu.memory_space<vmem>>, vector<16xi32>,
    %add3A_314 = arith.constant 48 : i32
    %add3A_315 = arith.addi %select_n3A_274, %add3A_314 : i32
    %get3A_316 = arith.index_cast %add3A_315 : i32 to index
    %get3A_317 = tpu.vector_load %arg9[%get3A_316] {strides = array<i32>} : memref<512xi32, #tpu.memory_space<vmem>>, vector<16xi32>,
    %get3A_318 = vector.shape_cast %get3A_317 : vector<16xi32> to vector<16xi32>
    %mul3A_319 = arith.constant 768 : i32
    %mul3A_320 = arith.muli %select_n3A_258, %mul3A_319 : i32
    %add3A_321 = vector.broadcast %mul3A_320 : i32 to vector<16xi32>
    %add3A_322 = arith.addi %get3A_318, %add3A_321 : vector<16xi32>
    %swap3A_323 = arith.constant 48 : index
    %swap3A_324 = tpu.vector_load %arg11[%swap3A_323] {strides = array<i32>} : memref<64xi32, #tpu.memory_space<vmem>>, vector<16xi32>,
    %swap3A_325 = vector.shape_cast %swap3A_324 : vector<16xi32> to vector<16xi32>
    %swap3A_326 = vector.shape_cast %add3A_322 : vector<16xi32> to vector<16xi32>
    tpu.vector_store %arg11[%swap3A_323], %swap3A_326 {strides = array<i32>} : memref<64xi32, #tpu.memory_space<vmem>>, vector<16xi32>,
    %dma_start3A_327 = arith.constant 0 : i32
    %dma_start3A_328 = arith.constant 0 : i32
    %dma_start3A_329 = tpu.memref_slice %arg3[%dma_start3A_327, %dma_start3A_328] : memref<6144x640xf32, #tpu.memory_space<hbm>> -> memref<6144x640xf32, #tpu.memory_space<hbm>>
    tpu.enqueue_indirect_dma source(%dma_start3A_329 : memref<6144x640xf32, #tpu.memory_space<hbm>>) target(%arg13 : memref<64x640xf32, #tpu.memory_space<vmem>>) offsets(%arg11 : memref<64xi32, #tpu.memory_space<vmem>>) semaphore(%arg14 : memref<!tpu.dma_semaphore, #tpu.memory_space<semaphore_mem>>)
    %dma_wait3A_330 = arith.constant 0 : i32
    %dma_wait3A_331 = arith.constant 0 : i32
    %dma_wait3A_332 = tpu.memref_slice %arg3[%dma_wait3A_330, %dma_wait3A_331] : memref<6144x640xf32, #tpu.memory_space<hbm>> -> memref<6144x640xf32, #tpu.memory_space<hbm>>
    tpu.wait_indirect_dma semaphore(%arg14 : memref<!tpu.dma_semaphore, #tpu.memory_space<semaphore_mem>>) src(%dma_wait3A_332 : memref<6144x640xf32, #tpu.memory_space<hbm>>) dst(%arg13 : memref<64x640xf32, #tpu.memory_space<vmem>>)
    "tpu.region"() ({
      %run_scoped3A = tpu.sem_alloc : memref<!tpu.dma_semaphore, #tpu.memory_space<semaphore_mem>>
      %dma_start3A_435 = arith.constant 0 : i32
      %dma_start3A_436 = tpu.memref_slice %arg7[%add3A_234, %dma_start3A_435] : memref<4096x640xf32, #tpu.memory_space<hbm>> -> memref<64x640xf32, #tpu.memory_space<hbm>>
      %dma_start3A_437 = arith.constant 0 : i32
      %dma_start3A_438 = tpu.memref_slice %arg7[%add3A_234, %dma_start3A_437] : memref<4096x640xf32, #tpu.memory_space<hbm>> -> memref<64x640xf32, #tpu.memory_space<hbm>>
      tpu.enqueue_dma source(%arg13 : memref<64x640xf32, #tpu.memory_space<vmem>>) target(%dma_start3A_438 : memref<64x640xf32, #tpu.memory_space<hbm>>) target_semaphore(%run_scoped3A : memref<!tpu.dma_semaphore, #tpu.memory_space<semaphore_mem>>)
      %dma_wait3A_439 = arith.constant 0 : i32
      %dma_wait3A_440 = tpu.memref_slice %arg7[%add3A_234, %dma_wait3A_439] : memref<4096x640xf32, #tpu.memory_space<hbm>> -> memref<64x640xf32, #tpu.memory_space<hbm>>
      %dma_wait3A_441 = arith.constant 0 : i32
      %dma_wait3A_442 = tpu.memref_slice %arg7[%add3A_234, %dma_wait3A_441] : memref<4096x640xf32, #tpu.memory_space<hbm>> -> memref<64x640xf32, #tpu.memory_space<hbm>>
      tpu.wait_dma2 semaphore(%run_scoped3A : memref<!tpu.dma_semaphore, #tpu.memory_space<semaphore_mem>>) src(%arg13 : memref<64x640xf32, #tpu.memory_space<vmem>>) dst(%dma_wait3A_442 : memref<64x640xf32, #tpu.memory_space<hbm>>)
      tpu.yield
    }) : () -> ()
    %mul3A_333 = arith.constant 128 : i32
    %mul3A_334 = arith.muli %add3A, %mul3A_333 : i32
    %add3A_335 = arith.constant 64 : i32
    %add3A_336 = arith.addi %mul3A_334, %add3A_335 : i32
    %jit3A_337 = arith.constant 512 : i32
    %div3A_338 = arith.divsi %add3A_336, %jit3A_337 : i32
    %sign3A_339 = arith.constant 0 : i32
    %sign3A_340 = arith.cmpi sgt, %add3A_336, %sign3A_339 : i32
    %sign3A_341 = arith.extui %sign3A_340 : i1 to i32
    %sign3A_342 = arith.constant 0 : i32
    %sign3A_343 = arith.cmpi slt, %add3A_336, %sign3A_342 : i32
    %sign3A_344 = arith.extui %sign3A_343 : i1 to i32
    %sign3A_345 = arith.subi %sign3A_341, %sign3A_344 : i32
    %sign3A_346 = arith.constant 0 : i32
    %sign3A_347 = arith.cmpi sgt, %jit3A_337, %sign3A_346 : i32
    %sign3A_348 = arith.extui %sign3A_347 : i1 to i32
    %sign3A_349 = arith.constant 0 : i32
    %sign3A_350 = arith.cmpi slt, %jit3A_337, %sign3A_349 : i32
    %sign3A_351 = arith.extui %sign3A_350 : i1 to i32
    %sign3A_352 = arith.subi %sign3A_348, %sign3A_351 : i32
    %ne3A_353 = arith.cmpi ne, %sign3A_345, %sign3A_352 : i32
    %rem3A_354 = arith.remsi %add3A_336, %jit3A_337 : i32
    %ne3A_355 = arith.constant 0 : i32
    %ne3A_356 = arith.cmpi ne, %rem3A_354, %ne3A_355 : i32
    %and3A_357 = arith.andi %ne3A_353, %ne3A_356 : i1
    %sub3A_358 = arith.constant 1 : i32
    %sub3A_359 = arith.subi %div3A_338, %sub3A_358 : i32
    %select_n3A_360 = arith.select %and3A_357, %sub3A_359, %div3A_338 : i32
    %jit3A_361 = arith.constant 512 : i32
    %eq3A_362 = arith.constant 0 : i32
    %eq3A_363 = arith.cmpi eq, %jit3A_361, %eq3A_362 : i32
    %jit3A_364 = arith.constant 1 : i32
    %select_n3A_365 = arith.select %eq3A_363, %jit3A_364, %jit3A_361 : i32
    %rem3A_366 = arith.remsi %add3A_336, %select_n3A_365 : i32
    %ne3A_367 = arith.constant 0 : i32
    %ne3A_368 = arith.cmpi ne, %rem3A_366, %ne3A_367 : i32
    %lt3A_369 = arith.constant 0 : i32
    %lt3A_370 = arith.cmpi slt, %rem3A_366, %lt3A_369 : i32
    %lt3A_371 = arith.constant 0 : i32
    %lt3A_372 = arith.cmpi slt, %select_n3A_365, %lt3A_371 : i32
    %ne3A_373 = arith.xori %lt3A_370, %lt3A_372 : i1
    %and3A_374 = arith.andi %ne3A_373, %ne3A_368 : i1
    %add3A_375 = arith.addi %rem3A_366, %select_n3A_365 : i32
    %select_n3A_376 = arith.select %and3A_374, %add3A_375, %rem3A_366 : i32
    %add3A_377 = arith.constant 0 : i32
    %add3A_378 = arith.addi %select_n3A_376, %add3A_377 : i32
    %get3A_379 = arith.index_cast %add3A_378 : i32 to index
    %get3A_380 = tpu.vector_load %arg9[%get3A_379] {strides = array<i32>} : memref<512xi32, #tpu.memory_space<vmem>>, vector<16xi32>,
    %get3A_381 = vector.shape_cast %get3A_380 : vector<16xi32> to vector<16xi32>
    %mul3A_382 = arith.constant 768 : i32
    %mul3A_383 = arith.muli %select_n3A_360, %mul3A_382 : i32
    %add3A_384 = vector.broadcast %mul3A_383 : i32 to vector<16xi32>
    %add3A_385 = arith.addi %get3A_381, %add3A_384 : vector<16xi32>
    %swap3A_386 = arith.constant 0 : index
    %swap3A_387 = tpu.vector_load %arg11[%swap3A_386] {strides = array<i32>} : memref<64xi32, #tpu.memory_space<vmem>>, vector<16xi32>,
    %swap3A_388 = vector.shape_cast %swap3A_387 : vector<16xi32> to vector<16xi32>
    %swap3A_389 = vector.shape_cast %add3A_385 : vector<16xi32> to vector<16xi32>
    tpu.vector_store %arg11[%swap3A_386], %swap3A_389 {strides = array<i32>} : memref<64xi32, #tpu.memory_space<vmem>>, vector<16xi32>,
    %add3A_390 = arith.constant 16 : i32
    %add3A_391 = arith.addi %select_n3A_376, %add3A_390 : i32
    %get3A_392 = arith.index_cast %add3A_391 : i32 to index
    %get3A_393 = tpu.vector_load %arg9[%get3A_392] {strides = array<i32>} : memref<512xi32, #tpu.memory_space<vmem>>, vector<16xi32>,
    %get3A_394 = vector.shape_cast %get3A_393 : vector<16xi32> to vector<16xi32>
    %mul3A_395 = arith.constant 768 : i32
    %mul3A_396 = arith.muli %select_n3A_360, %mul3A_395 : i32
    %add3A_397 = vector.broadcast %mul3A_396 : i32 to vector<16xi32>
    %add3A_398 = arith.addi %get3A_394, %add3A_397 : vector<16xi32>
    %swap3A_399 = arith.constant 16 : index
    %swap3A_400 = tpu.vector_load %arg11[%swap3A_399] {strides = array<i32>} : memref<64xi32, #tpu.memory_space<vmem>>, vector<16xi32>,
    %swap3A_401 = vector.shape_cast %swap3A_400 : vector<16xi32> to vector<16xi32>
    %swap3A_402 = vector.shape_cast %add3A_398 : vector<16xi32> to vector<16xi32>
    tpu.vector_store %arg11[%swap3A_399], %swap3A_402 {strides = array<i32>} : memref<64xi32, #tpu.memory_space<vmem>>, vector<16xi32>,
    %add3A_403 = arith.constant 32 : i32
    %add3A_404 = arith.addi %select_n3A_376, %add3A_403 : i32
    %get3A_405 = arith.index_cast %add3A_404 : i32 to index
    %get3A_406 = tpu.vector_load %arg9[%get3A_405] {strides = array<i32>} : memref<512xi32, #tpu.memory_space<vmem>>, vector<16xi32>,
    %get3A_407 = vector.shape_cast %get3A_406 : vector<16xi32> to vector<16xi32>
    %mul3A_408 = arith.constant 768 : i32
    %mul3A_409 = arith.muli %select_n3A_360, %mul3A_408 : i32
    %add3A_410 = vector.broadcast %mul3A_409 : i32 to vector<16xi32>
    %add3A_411 = arith.addi %get3A_407, %add3A_410 : vector<16xi32>
    %swap3A_412 = arith.constant 32 : index
    %swap3A_413 = tpu.vector_load %arg11[%swap3A_412] {strides = array<i32>} : memref<64xi32, #tpu.memory_space<vmem>>, vector<16xi32>,
    %swap3A_414 = vector.shape_cast %swap3A_413 : vector<16xi32> to vector<16xi32>
    %swap3A_415 = vector.shape_cast %add3A_411 : vector<16xi32> to vector<16xi32>
    tpu.vector_store %arg11[%swap3A_412], %swap3A_415 {strides = array<i32>} : memref<64xi32, #tpu.memory_space<vmem>>, vector<16xi32>,
    %add3A_416 = arith.constant 48 : i32
    %add3A_417 = arith.addi %select_n3A_376, %add3A_416 : i32
    %get3A_418 = arith.index_cast %add3A_417 : i32 to index
    %get3A_419 = tpu.vector_load %arg9[%get3A_418] {strides = array<i32>} : memref<512xi32, #tpu.memory_space<vmem>>, vector<16xi32>,
    %get3A_420 = vector.shape_cast %get3A_419 : vector<16xi32> to vector<16xi32>
    %mul3A_421 = arith.constant 768 : i32
    %mul3A_422 = arith.muli %select_n3A_360, %mul3A_421 : i32
    %add3A_423 = vector.broadcast %mul3A_422 : i32 to vector<16xi32>
    %add3A_424 = arith.addi %get3A_420, %add3A_423 : vector<16xi32>
    %swap3A_425 = arith.constant 48 : index
    %swap3A_426 = tpu.vector_load %arg11[%swap3A_425] {strides = array<i32>} : memref<64xi32, #tpu.memory_space<vmem>>, vector<16xi32>,
    %swap3A_427 = vector.shape_cast %swap3A_426 : vector<16xi32> to vector<16xi32>
    %swap3A_428 = vector.shape_cast %add3A_424 : vector<16xi32> to vector<16xi32>
    tpu.vector_store %arg11[%swap3A_425], %swap3A_428 {strides = array<i32>} : memref<64xi32, #tpu.memory_space<vmem>>, vector<16xi32>,
    %dma_start3A_429 = arith.constant 0 : i32
    %dma_start3A_430 = arith.constant 0 : i32
    %dma_start3A_431 = tpu.memref_slice %arg3[%dma_start3A_429, %dma_start3A_430] : memref<6144x640xf32, #tpu.memory_space<hbm>> -> memref<6144x640xf32, #tpu.memory_space<hbm>>
    tpu.enqueue_indirect_dma source(%dma_start3A_431 : memref<6144x640xf32, #tpu.memory_space<hbm>>) target(%arg13 : memref<64x640xf32, #tpu.memory_space<vmem>>) offsets(%arg11 : memref<64xi32, #tpu.memory_space<vmem>>) semaphore(%arg14 : memref<!tpu.dma_semaphore, #tpu.memory_space<semaphore_mem>>)
    %dma_wait3A_432 = arith.constant 0 : i32
    %dma_wait3A_433 = arith.constant 0 : i32
    %dma_wait3A_434 = tpu.memref_slice %arg3[%dma_wait3A_432, %dma_wait3A_433] : memref<6144x640xf32, #tpu.memory_space<hbm>> -> memref<6144x640xf32, #tpu.memory_space<hbm>>
    tpu.wait_indirect_dma semaphore(%arg14 : memref<!tpu.dma_semaphore, #tpu.memory_space<semaphore_mem>>) src(%dma_wait3A_434 : memref<6144x640xf32, #tpu.memory_space<hbm>>) dst(%arg13 : memref<64x640xf32, #tpu.memory_space<vmem>>)
    "tpu.region"() ({
      %run_scoped3A = tpu.sem_alloc : memref<!tpu.dma_semaphore, #tpu.memory_space<semaphore_mem>>
      %dma_start3A_435 = arith.constant 0 : i32
      %dma_start3A_436 = tpu.memref_slice %arg7[%add3A_336, %dma_start3A_435] : memref<4096x640xf32, #tpu.memory_space<hbm>> -> memref<64x640xf32, #tpu.memory_space<hbm>>
      %dma_start3A_437 = arith.constant 0 : i32
      %dma_start3A_438 = tpu.memref_slice %arg7[%add3A_336, %dma_start3A_437] : memref<4096x640xf32, #tpu.memory_space<hbm>> -> memref<64x640xf32, #tpu.memory_space<hbm>>
      tpu.enqueue_dma source(%arg13 : memref<64x640xf32, #tpu.memory_space<vmem>>) target(%dma_start3A_438 : memref<64x640xf32, #tpu.memory_space<hbm>>) target_semaphore(%run_scoped3A : memref<!tpu.dma_semaphore, #tpu.memory_space<semaphore_mem>>)
      %dma_wait3A_439 = arith.constant 0 : i32
      %dma_wait3A_440 = tpu.memref_slice %arg7[%add3A_336, %dma_wait3A_439] : memref<4096x640xf32, #tpu.memory_space<hbm>> -> memref<64x640xf32, #tpu.memory_space<hbm>>
      %dma_wait3A_441 = arith.constant 0 : i32
      %dma_wait3A_442 = tpu.memref_slice %arg7[%add3A_336, %dma_wait3A_441] : memref<4096x640xf32, #tpu.memory_space<hbm>> -> memref<64x640xf32, #tpu.memory_space<hbm>>
      tpu.wait_dma2 semaphore(%run_scoped3A : memref<!tpu.dma_semaphore, #tpu.memory_space<semaphore_mem>>) src(%arg13 : memref<64x640xf32, #tpu.memory_space<vmem>>) dst(%dma_wait3A_442 : memref<64x640xf32, #tpu.memory_space<hbm>>)
      tpu.yield
    }) : () -> ()
    return
  }
}

module attributes {stable_mosaic.version = 14 : i64} {
  func.func @_mega_body(%arg0: i32, %arg1: memref<1x16x3x10192xbf16, #tpu.memory_space<vmem>>, %arg2: memref<128x147xbf16, #tpu.memory_space<vmem>>, %arg3: memref<9x128x256xbf16, #tpu.memory_space<vmem>>, %arg4: memref<9x256x256xbf16, #tpu.memory_space<vmem>>, %arg5: memref<9x256x384xbf16, #tpu.memory_space<vmem>>, %arg6: memref<9x384x384xbf16, #tpu.memory_space<vmem>>, %arg7: memref<1x384x2304xf32, #tpu.memory_space<vmem>>, %arg8: memref<1x768x640xf32, #tpu.memory_space<vmem>>, %arg9: memref<98x98x128xf32, #tpu.memory_space<vmem>>, %arg10: memref<50x50x2x128xf32, #tpu.memory_space<vmem>>, %arg11: memref<50x50x2x128xf32, #tpu.memory_space<vmem>>, %arg12: memref<26x26x3x128xf32, #tpu.memory_space<vmem>>) attributes {dimension_semantics = [#tpu.dimension_semantics<arbitrary>], iteration_bounds = array<i64: 8>, scalar_prefetch = 0 : i64, scratch_operands = 4 : i64, tpu.core_type = #tpu.core_type<tc>, window_params = [{transform_indices = @transform_0, window_bounds = array<i64: 1, 16, 3, 10192>}, {pipeline_mode = #tpu.pipeline_mode<synchronous>, transform_indices = @transform_1, window_bounds = array<i64: 128, 147>}, {pipeline_mode = #tpu.pipeline_mode<synchronous>, transform_indices = @transform_2, window_bounds = array<i64: 9, 128, 256>}, {pipeline_mode = #tpu.pipeline_mode<synchronous>, transform_indices = @transform_3, window_bounds = array<i64: 9, 256, 256>}, {pipeline_mode = #tpu.pipeline_mode<synchronous>, transform_indices = @transform_4, window_bounds = array<i64: 9, 256, 384>}, {pipeline_mode = #tpu.pipeline_mode<synchronous>, transform_indices = @transform_5, window_bounds = array<i64: 9, 384, 384>}, {transform_indices = @transform_6, window_bounds = array<i64: 1, 384, 2304>}, {transform_indices = @transform_7, window_bounds = array<i64: 1, 768, 640>}]} {
    %eq3A = arith.constant 0 : i32
    %eq3A_0 = arith.cmpi eq, %arg0, %eq3A : i32
    %convert_element_type3A = arith.extui %eq3A_0 : i1 to i32
    %cond3A = arith.constant 0 : i32
    %cond3A_1 = arith.cmpi ne, %convert_element_type3A, %cond3A : i32
    scf.if %cond3A_1 {
      %broadcast_in_dim3A_897 = arith.constant 0.000000e+00 : f32
      %broadcast_in_dim3A_898 = vector.broadcast %broadcast_in_dim3A_897 : f32 to vector<98x98x128xf32>
      %swap3A_899 = arith.constant 0 : index
      %swap3A_900 = arith.constant 0 : index
      %swap3A_901 = arith.constant 0 : index
      %swap3A_902 = vector.load %arg9[%swap3A_899, %swap3A_900, %swap3A_901] : memref<98x98x128xf32, #tpu.memory_space<vmem>>, vector<98x98x128xf32>
      tpu.vector_store %arg9[%swap3A_899, %swap3A_900, %swap3A_901], %broadcast_in_dim3A_898 {strides = array<i32>} : memref<98x98x128xf32, #tpu.memory_space<vmem>>, vector<98x98x128xf32>,
      %broadcast_in_dim3A_903 = arith.constant 0.000000e+00 : f32
      %broadcast_in_dim3A_904 = vector.broadcast %broadcast_in_dim3A_903 : f32 to vector<50x50x2x128xf32>
      %swap3A_905 = arith.constant 0 : index
      %swap3A_906 = arith.constant 0 : index
      %swap3A_907 = arith.constant 0 : index
      %swap3A_908 = arith.constant 0 : index
      %swap3A_909 = vector.load %arg10[%swap3A_905, %swap3A_906, %swap3A_907, %swap3A_908] : memref<50x50x2x128xf32, #tpu.memory_space<vmem>>, vector<50x50x2x128xf32>
      tpu.vector_store %arg10[%swap3A_905, %swap3A_906, %swap3A_907, %swap3A_908], %broadcast_in_dim3A_904 {strides = array<i32>} : memref<50x50x2x128xf32, #tpu.memory_space<vmem>>, vector<50x50x2x128xf32>,
      %broadcast_in_dim3A_910 = arith.constant 0.000000e+00 : f32
      %broadcast_in_dim3A_911 = vector.broadcast %broadcast_in_dim3A_910 : f32 to vector<50x50x2x128xf32>
      %swap3A_912 = arith.constant 0 : index
      %swap3A_913 = arith.constant 0 : index
      %swap3A_914 = arith.constant 0 : index
      %swap3A_915 = arith.constant 0 : index
      %swap3A_916 = vector.load %arg11[%swap3A_912, %swap3A_913, %swap3A_914, %swap3A_915] : memref<50x50x2x128xf32, #tpu.memory_space<vmem>>, vector<50x50x2x128xf32>
      tpu.vector_store %arg11[%swap3A_912, %swap3A_913, %swap3A_914, %swap3A_915], %broadcast_in_dim3A_911 {strides = array<i32>} : memref<50x50x2x128xf32, #tpu.memory_space<vmem>>, vector<50x50x2x128xf32>,
      %broadcast_in_dim3A_917 = arith.constant 0.000000e+00 : f32
      %broadcast_in_dim3A_918 = vector.broadcast %broadcast_in_dim3A_917 : f32 to vector<26x26x3x128xf32>
      %swap3A_919 = arith.constant 0 : index
      %swap3A_920 = arith.constant 0 : index
      %swap3A_921 = arith.constant 0 : index
      %swap3A_922 = arith.constant 0 : index
      %swap3A_923 = vector.load %arg12[%swap3A_919, %swap3A_920, %swap3A_921, %swap3A_922] : memref<26x26x3x128xf32, #tpu.memory_space<vmem>>, vector<26x26x3x128xf32>
      tpu.vector_store %arg12[%swap3A_919, %swap3A_920, %swap3A_921, %swap3A_922], %broadcast_in_dim3A_918 {strides = array<i32>} : memref<26x26x3x128xf32, #tpu.memory_space<vmem>>, vector<26x26x3x128xf32>,
    } else {
    }
    %get3A = arith.constant 0 : index
    %get3A_2 = arith.constant 0 : index
    %get3A_3 = arith.constant 0 : index
    %get3A_4 = arith.constant 0 : index
    %get3A_5 = vector.load %arg1[%get3A, %get3A_2, %get3A_3, %get3A_4] : memref<1x16x3x10192xbf16, #tpu.memory_space<vmem>>, vector<1x1x3x9984xbf16>
    %get3A_6 = vector.shape_cast %get3A_5 : vector<1x1x3x9984xbf16> to vector<3x9984xbf16>
    %get3A_7 = arith.constant 0 : index
    %get3A_8 = arith.constant 1 : index
    %get3A_9 = arith.constant 0 : index
    %get3A_10 = arith.constant 0 : index
    %get3A_11 = vector.load %arg1[%get3A_7, %get3A_8, %get3A_9, %get3A_10] : memref<1x16x3x10192xbf16, #tpu.memory_space<vmem>>, vector<1x1x3x9984xbf16>
    %get3A_12 = vector.shape_cast %get3A_11 : vector<1x1x3x9984xbf16> to vector<3x9984xbf16>
    %get3A_13 = arith.constant 0 : index
    %get3A_14 = arith.constant 2 : index
    %get3A_15 = arith.constant 0 : index
    %get3A_16 = arith.constant 0 : index
    %get3A_17 = vector.load %arg1[%get3A_13, %get3A_14, %get3A_15, %get3A_16] : memref<1x16x3x10192xbf16, #tpu.memory_space<vmem>>, vector<1x1x3x9984xbf16>
    %get3A_18 = vector.shape_cast %get3A_17 : vector<1x1x3x9984xbf16> to vector<3x9984xbf16>
    %get3A_19 = arith.constant 0 : index
    %get3A_20 = arith.constant 3 : index
    %get3A_21 = arith.constant 0 : index
    %get3A_22 = arith.constant 0 : index
    %get3A_23 = vector.load %arg1[%get3A_19, %get3A_20, %get3A_21, %get3A_22] : memref<1x16x3x10192xbf16, #tpu.memory_space<vmem>>, vector<1x1x3x9984xbf16>
    %get3A_24 = vector.shape_cast %get3A_23 : vector<1x1x3x9984xbf16> to vector<3x9984xbf16>
    %get3A_25 = arith.constant 0 : index
    %get3A_26 = arith.constant 0 : index
    %get3A_27 = arith.constant 0 : index
    %get3A_28 = arith.constant 1 : index
    %get3A_29 = vector.load %arg1[%get3A_25, %get3A_26, %get3A_27, %get3A_28] : memref<1x16x3x10192xbf16, #tpu.memory_space<vmem>>, vector<1x1x3x9984xbf16>
    %get3A_30 = vector.shape_cast %get3A_29 : vector<1x1x3x9984xbf16> to vector<3x9984xbf16>
    %get3A_31 = arith.constant 0 : index
    %get3A_32 = arith.constant 1 : index
    %get3A_33 = arith.constant 0 : index
    %get3A_34 = arith.constant 1 : index
    %get3A_35 = vector.load %arg1[%get3A_31, %get3A_32, %get3A_33, %get3A_34] : memref<1x16x3x10192xbf16, #tpu.memory_space<vmem>>, vector<1x1x3x9984xbf16>
    %get3A_36 = vector.shape_cast %get3A_35 : vector<1x1x3x9984xbf16> to vector<3x9984xbf16>
    %get3A_37 = arith.constant 0 : index
    %get3A_38 = arith.constant 2 : index
    %get3A_39 = arith.constant 0 : index
    %get3A_40 = arith.constant 1 : index
    %get3A_41 = vector.load %arg1[%get3A_37, %get3A_38, %get3A_39, %get3A_40] : memref<1x16x3x10192xbf16, #tpu.memory_space<vmem>>, vector<1x1x3x9984xbf16>
    %get3A_42 = vector.shape_cast %get3A_41 : vector<1x1x3x9984xbf16> to vector<3x9984xbf16>
    %get3A_43 = arith.constant 0 : index
    %get3A_44 = arith.constant 4 : index
    %get3A_45 = arith.constant 0 : index
    %get3A_46 = arith.constant 0 : index
    %get3A_47 = vector.load %arg1[%get3A_43, %get3A_44, %get3A_45, %get3A_46] : memref<1x16x3x10192xbf16, #tpu.memory_space<vmem>>, vector<1x1x3x9984xbf16>
    %get3A_48 = vector.shape_cast %get3A_47 : vector<1x1x3x9984xbf16> to vector<3x9984xbf16>
    %get3A_49 = arith.constant 0 : index
    %get3A_50 = arith.constant 5 : index
    %get3A_51 = arith.constant 0 : index
    %get3A_52 = arith.constant 0 : index
    %get3A_53 = vector.load %arg1[%get3A_49, %get3A_50, %get3A_51, %get3A_52] : memref<1x16x3x10192xbf16, #tpu.memory_space<vmem>>, vector<1x1x3x9984xbf16>
    %get3A_54 = vector.shape_cast %get3A_53 : vector<1x1x3x9984xbf16> to vector<3x9984xbf16>
    %get3A_55 = arith.constant 0 : index
    %get3A_56 = arith.constant 6 : index
    %get3A_57 = arith.constant 0 : index
    %get3A_58 = arith.constant 0 : index
    %get3A_59 = vector.load %arg1[%get3A_55, %get3A_56, %get3A_57, %get3A_58] : memref<1x16x3x10192xbf16, #tpu.memory_space<vmem>>, vector<1x1x3x9984xbf16>
    %get3A_60 = vector.shape_cast %get3A_59 : vector<1x1x3x9984xbf16> to vector<3x9984xbf16>
    %get3A_61 = arith.constant 0 : index
    %get3A_62 = arith.constant 7 : index
    %get3A_63 = arith.constant 0 : index
    %get3A_64 = arith.constant 0 : index
    %get3A_65 = vector.load %arg1[%get3A_61, %get3A_62, %get3A_63, %get3A_64] : memref<1x16x3x10192xbf16, #tpu.memory_space<vmem>>, vector<1x1x3x9984xbf16>
    %get3A_66 = vector.shape_cast %get3A_65 : vector<1x1x3x9984xbf16> to vector<3x9984xbf16>
    %get3A_67 = arith.constant 0 : index
    %get3A_68 = arith.constant 4 : index
    %get3A_69 = arith.constant 0 : index
    %get3A_70 = arith.constant 1 : index
    %get3A_71 = vector.load %arg1[%get3A_67, %get3A_68, %get3A_69, %get3A_70] : memref<1x16x3x10192xbf16, #tpu.memory_space<vmem>>, vector<1x1x3x9984xbf16>
    %get3A_72 = vector.shape_cast %get3A_71 : vector<1x1x3x9984xbf16> to vector<3x9984xbf16>
    %get3A_73 = arith.constant 0 : index
    %get3A_74 = arith.constant 5 : index
    %get3A_75 = arith.constant 0 : index
    %get3A_76 = arith.constant 1 : index
    %get3A_77 = vector.load %arg1[%get3A_73, %get3A_74, %get3A_75, %get3A_76] : memref<1x16x3x10192xbf16, #tpu.memory_space<vmem>>, vector<1x1x3x9984xbf16>
    %get3A_78 = vector.shape_cast %get3A_77 : vector<1x1x3x9984xbf16> to vector<3x9984xbf16>
    %get3A_79 = arith.constant 0 : index
    %get3A_80 = arith.constant 6 : index
    %get3A_81 = arith.constant 0 : index
    %get3A_82 = arith.constant 1 : index
    %get3A_83 = vector.load %arg1[%get3A_79, %get3A_80, %get3A_81, %get3A_82] : memref<1x16x3x10192xbf16, #tpu.memory_space<vmem>>, vector<1x1x3x9984xbf16>
    %get3A_84 = vector.shape_cast %get3A_83 : vector<1x1x3x9984xbf16> to vector<3x9984xbf16>
    %get3A_85 = arith.constant 0 : index
    %get3A_86 = arith.constant 8 : index
    %get3A_87 = arith.constant 0 : index
    %get3A_88 = arith.constant 0 : index
    %get3A_89 = vector.load %arg1[%get3A_85, %get3A_86, %get3A_87, %get3A_88] : memref<1x16x3x10192xbf16, #tpu.memory_space<vmem>>, vector<1x1x3x9984xbf16>
    %get3A_90 = vector.shape_cast %get3A_89 : vector<1x1x3x9984xbf16> to vector<3x9984xbf16>
    %get3A_91 = arith.constant 0 : index
    %get3A_92 = arith.constant 9 : index
    %get3A_93 = arith.constant 0 : index
    %get3A_94 = arith.constant 0 : index
    %get3A_95 = vector.load %arg1[%get3A_91, %get3A_92, %get3A_93, %get3A_94] : memref<1x16x3x10192xbf16, #tpu.memory_space<vmem>>, vector<1x1x3x9984xbf16>
    %get3A_96 = vector.shape_cast %get3A_95 : vector<1x1x3x9984xbf16> to vector<3x9984xbf16>
    %get3A_97 = arith.constant 0 : index
    %get3A_98 = arith.constant 10 : index
    %get3A_99 = arith.constant 0 : index
    %get3A_100 = arith.constant 0 : index
    %get3A_101 = vector.load %arg1[%get3A_97, %get3A_98, %get3A_99, %get3A_100] : memref<1x16x3x10192xbf16, #tpu.memory_space<vmem>>, vector<1x1x3x9984xbf16>
    %get3A_102 = vector.shape_cast %get3A_101 : vector<1x1x3x9984xbf16> to vector<3x9984xbf16>
    %get3A_103 = arith.constant 0 : index
    %get3A_104 = arith.constant 11 : index
    %get3A_105 = arith.constant 0 : index
    %get3A_106 = arith.constant 0 : index
    %get3A_107 = vector.load %arg1[%get3A_103, %get3A_104, %get3A_105, %get3A_106] : memref<1x16x3x10192xbf16, #tpu.memory_space<vmem>>, vector<1x1x3x9984xbf16>
    %get3A_108 = vector.shape_cast %get3A_107 : vector<1x1x3x9984xbf16> to vector<3x9984xbf16>
    %get3A_109 = arith.constant 0 : index
    %get3A_110 = arith.constant 8 : index
    %get3A_111 = arith.constant 0 : index
    %get3A_112 = arith.constant 1 : index
    %get3A_113 = vector.load %arg1[%get3A_109, %get3A_110, %get3A_111, %get3A_112] : memref<1x16x3x10192xbf16, #tpu.memory_space<vmem>>, vector<1x1x3x9984xbf16>
    %get3A_114 = vector.shape_cast %get3A_113 : vector<1x1x3x9984xbf16> to vector<3x9984xbf16>
    %get3A_115 = arith.constant 0 : index
    %get3A_116 = arith.constant 9 : index
    %get3A_117 = arith.constant 0 : index
    %get3A_118 = arith.constant 1 : index
    %get3A_119 = vector.load %arg1[%get3A_115, %get3A_116, %get3A_117, %get3A_118] : memref<1x16x3x10192xbf16, #tpu.memory_space<vmem>>, vector<1x1x3x9984xbf16>
    %get3A_120 = vector.shape_cast %get3A_119 : vector<1x1x3x9984xbf16> to vector<3x9984xbf16>
    %get3A_121 = arith.constant 0 : index
    %get3A_122 = arith.constant 10 : index
    %get3A_123 = arith.constant 0 : index
    %get3A_124 = arith.constant 1 : index
    %get3A_125 = vector.load %arg1[%get3A_121, %get3A_122, %get3A_123, %get3A_124] : memref<1x16x3x10192xbf16, #tpu.memory_space<vmem>>, vector<1x1x3x9984xbf16>
    %get3A_126 = vector.shape_cast %get3A_125 : vector<1x1x3x9984xbf16> to vector<3x9984xbf16>
    %get3A_127 = arith.constant 0 : index
    %get3A_128 = arith.constant 12 : index
    %get3A_129 = arith.constant 0 : index
    %get3A_130 = arith.constant 0 : index
    %get3A_131 = vector.load %arg1[%get3A_127, %get3A_128, %get3A_129, %get3A_130] : memref<1x16x3x10192xbf16, #tpu.memory_space<vmem>>, vector<1x1x3x9984xbf16>
    %get3A_132 = vector.shape_cast %get3A_131 : vector<1x1x3x9984xbf16> to vector<3x9984xbf16>
    %get3A_133 = arith.constant 0 : index
    %get3A_134 = arith.constant 13 : index
    %get3A_135 = arith.constant 0 : index
    %get3A_136 = arith.constant 0 : index
    %get3A_137 = vector.load %arg1[%get3A_133, %get3A_134, %get3A_135, %get3A_136] : memref<1x16x3x10192xbf16, #tpu.memory_space<vmem>>, vector<1x1x3x9984xbf16>
    %get3A_138 = vector.shape_cast %get3A_137 : vector<1x1x3x9984xbf16> to vector<3x9984xbf16>
    %get3A_139 = arith.constant 0 : index
    %get3A_140 = arith.constant 14 : index
    %get3A_141 = arith.constant 0 : index
    %get3A_142 = arith.constant 0 : index
    %get3A_143 = vector.load %arg1[%get3A_139, %get3A_140, %get3A_141, %get3A_142] : memref<1x16x3x10192xbf16, #tpu.memory_space<vmem>>, vector<1x1x3x9984xbf16>
    %get3A_144 = vector.shape_cast %get3A_143 : vector<1x1x3x9984xbf16> to vector<3x9984xbf16>
    %get3A_145 = arith.constant 0 : index
    %get3A_146 = arith.constant 15 : index
    %get3A_147 = arith.constant 0 : index
    %get3A_148 = arith.constant 0 : index
    %get3A_149 = vector.load %arg1[%get3A_145, %get3A_146, %get3A_147, %get3A_148] : memref<1x16x3x10192xbf16, #tpu.memory_space<vmem>>, vector<1x1x3x9984xbf16>
    %get3A_150 = vector.shape_cast %get3A_149 : vector<1x1x3x9984xbf16> to vector<3x9984xbf16>
    %get3A_151 = arith.constant 0 : index
    %get3A_152 = arith.constant 12 : index
    %get3A_153 = arith.constant 0 : index
    %get3A_154 = arith.constant 1 : index
    %get3A_155 = vector.load %arg1[%get3A_151, %get3A_152, %get3A_153, %get3A_154] : memref<1x16x3x10192xbf16, #tpu.memory_space<vmem>>, vector<1x1x3x9984xbf16>
    %get3A_156 = vector.shape_cast %get3A_155 : vector<1x1x3x9984xbf16> to vector<3x9984xbf16>
    %get3A_157 = arith.constant 0 : index
    %get3A_158 = arith.constant 13 : index
    %get3A_159 = arith.constant 0 : index
    %get3A_160 = arith.constant 1 : index
    %get3A_161 = vector.load %arg1[%get3A_157, %get3A_158, %get3A_159, %get3A_160] : memref<1x16x3x10192xbf16, #tpu.memory_space<vmem>>, vector<1x1x3x9984xbf16>
    %get3A_162 = vector.shape_cast %get3A_161 : vector<1x1x3x9984xbf16> to vector<3x9984xbf16>
    %get3A_163 = arith.constant 0 : index
    %get3A_164 = arith.constant 14 : index
    %get3A_165 = arith.constant 0 : index
    %get3A_166 = arith.constant 1 : index
    %get3A_167 = vector.load %arg1[%get3A_163, %get3A_164, %get3A_165, %get3A_166] : memref<1x16x3x10192xbf16, #tpu.memory_space<vmem>>, vector<1x1x3x9984xbf16>
    %get3A_168 = vector.shape_cast %get3A_167 : vector<1x1x3x9984xbf16> to vector<3x9984xbf16>
    %get3A_169 = arith.constant 0 : index
    %get3A_170 = arith.constant 0 : index
    %get3A_171 = arith.constant 0 : index
    %get3A_172 = arith.constant 104 : index
    %get3A_173 = vector.load %arg1[%get3A_169, %get3A_170, %get3A_171, %get3A_172] : memref<1x16x3x10192xbf16, #tpu.memory_space<vmem>>, vector<1x1x3x9984xbf16>
    %get3A_174 = vector.shape_cast %get3A_173 : vector<1x1x3x9984xbf16> to vector<3x9984xbf16>
    %get3A_175 = arith.constant 0 : index
    %get3A_176 = arith.constant 1 : index
    %get3A_177 = arith.constant 0 : index
    %get3A_178 = arith.constant 104 : index
    %get3A_179 = vector.load %arg1[%get3A_175, %get3A_176, %get3A_177, %get3A_178] : memref<1x16x3x10192xbf16, #tpu.memory_space<vmem>>, vector<1x1x3x9984xbf16>
    %get3A_180 = vector.shape_cast %get3A_179 : vector<1x1x3x9984xbf16> to vector<3x9984xbf16>
    %get3A_181 = arith.constant 0 : index
    %get3A_182 = arith.constant 2 : index
    %get3A_183 = arith.constant 0 : index
    %get3A_184 = arith.constant 104 : index
    %get3A_185 = vector.load %arg1[%get3A_181, %get3A_182, %get3A_183, %get3A_184] : memref<1x16x3x10192xbf16, #tpu.memory_space<vmem>>, vector<1x1x3x9984xbf16>
    %get3A_186 = vector.shape_cast %get3A_185 : vector<1x1x3x9984xbf16> to vector<3x9984xbf16>
    %get3A_187 = arith.constant 0 : index
    %get3A_188 = arith.constant 3 : index
    %get3A_189 = arith.constant 0 : index
    %get3A_190 = arith.constant 104 : index
    %get3A_191 = vector.load %arg1[%get3A_187, %get3A_188, %get3A_189, %get3A_190] : memref<1x16x3x10192xbf16, #tpu.memory_space<vmem>>, vector<1x1x3x9984xbf16>
    %get3A_192 = vector.shape_cast %get3A_191 : vector<1x1x3x9984xbf16> to vector<3x9984xbf16>
    %get3A_193 = arith.constant 0 : index
    %get3A_194 = arith.constant 0 : index
    %get3A_195 = arith.constant 0 : index
    %get3A_196 = arith.constant 105 : index
    %get3A_197 = vector.load %arg1[%get3A_193, %get3A_194, %get3A_195, %get3A_196] : memref<1x16x3x10192xbf16, #tpu.memory_space<vmem>>, vector<1x1x3x9984xbf16>
    %get3A_198 = vector.shape_cast %get3A_197 : vector<1x1x3x9984xbf16> to vector<3x9984xbf16>
    %get3A_199 = arith.constant 0 : index
    %get3A_200 = arith.constant 1 : index
    %get3A_201 = arith.constant 0 : index
    %get3A_202 = arith.constant 105 : index
    %get3A_203 = vector.load %arg1[%get3A_199, %get3A_200, %get3A_201, %get3A_202] : memref<1x16x3x10192xbf16, #tpu.memory_space<vmem>>, vector<1x1x3x9984xbf16>
    %get3A_204 = vector.shape_cast %get3A_203 : vector<1x1x3x9984xbf16> to vector<3x9984xbf16>
    %get3A_205 = arith.constant 0 : index
    %get3A_206 = arith.constant 2 : index
    %get3A_207 = arith.constant 0 : index
    %get3A_208 = arith.constant 105 : index
    %get3A_209 = vector.load %arg1[%get3A_205, %get3A_206, %get3A_207, %get3A_208] : memref<1x16x3x10192xbf16, #tpu.memory_space<vmem>>, vector<1x1x3x9984xbf16>
    %get3A_210 = vector.shape_cast %get3A_209 : vector<1x1x3x9984xbf16> to vector<3x9984xbf16>
    %get3A_211 = arith.constant 0 : index
    %get3A_212 = arith.constant 4 : index
    %get3A_213 = arith.constant 0 : index
    %get3A_214 = arith.constant 104 : index
    %get3A_215 = vector.load %arg1[%get3A_211, %get3A_212, %get3A_213, %get3A_214] : memref<1x16x3x10192xbf16, #tpu.memory_space<vmem>>, vector<1x1x3x9984xbf16>
    %get3A_216 = vector.shape_cast %get3A_215 : vector<1x1x3x9984xbf16> to vector<3x9984xbf16>
    %get3A_217 = arith.constant 0 : index
    %get3A_218 = arith.constant 5 : index
    %get3A_219 = arith.constant 0 : index
    %get3A_220 = arith.constant 104 : index
    %get3A_221 = vector.load %arg1[%get3A_217, %get3A_218, %get3A_219, %get3A_220] : memref<1x16x3x10192xbf16, #tpu.memory_space<vmem>>, vector<1x1x3x9984xbf16>
    %get3A_222 = vector.shape_cast %get3A_221 : vector<1x1x3x9984xbf16> to vector<3x9984xbf16>
    %get3A_223 = arith.constant 0 : index
    %get3A_224 = arith.constant 6 : index
    %get3A_225 = arith.constant 0 : index
    %get3A_226 = arith.constant 104 : index
    %get3A_227 = vector.load %arg1[%get3A_223, %get3A_224, %get3A_225, %get3A_226] : memref<1x16x3x10192xbf16, #tpu.memory_space<vmem>>, vector<1x1x3x9984xbf16>
    %get3A_228 = vector.shape_cast %get3A_227 : vector<1x1x3x9984xbf16> to vector<3x9984xbf16>
    %get3A_229 = arith.constant 0 : index
    %get3A_230 = arith.constant 7 : index
    %get3A_231 = arith.constant 0 : index
    %get3A_232 = arith.constant 104 : index
    %get3A_233 = vector.load %arg1[%get3A_229, %get3A_230, %get3A_231, %get3A_232] : memref<1x16x3x10192xbf16, #tpu.memory_space<vmem>>, vector<1x1x3x9984xbf16>
    %get3A_234 = vector.shape_cast %get3A_233 : vector<1x1x3x9984xbf16> to vector<3x9984xbf16>
    %get3A_235 = arith.constant 0 : index
    %get3A_236 = arith.constant 4 : index
    %get3A_237 = arith.constant 0 : index
    %get3A_238 = arith.constant 105 : index
    %get3A_239 = vector.load %arg1[%get3A_235, %get3A_236, %get3A_237, %get3A_238] : memref<1x16x3x10192xbf16, #tpu.memory_space<vmem>>, vector<1x1x3x9984xbf16>
    %get3A_240 = vector.shape_cast %get3A_239 : vector<1x1x3x9984xbf16> to vector<3x9984xbf16>
    %get3A_241 = arith.constant 0 : index
    %get3A_242 = arith.constant 5 : index
    %get3A_243 = arith.constant 0 : index
    %get3A_244 = arith.constant 105 : index
    %get3A_245 = vector.load %arg1[%get3A_241, %get3A_242, %get3A_243, %get3A_244] : memref<1x16x3x10192xbf16, #tpu.memory_space<vmem>>, vector<1x1x3x9984xbf16>
    %get3A_246 = vector.shape_cast %get3A_245 : vector<1x1x3x9984xbf16> to vector<3x9984xbf16>
    %get3A_247 = arith.constant 0 : index
    %get3A_248 = arith.constant 6 : index
    %get3A_249 = arith.constant 0 : index
    %get3A_250 = arith.constant 105 : index
    %get3A_251 = vector.load %arg1[%get3A_247, %get3A_248, %get3A_249, %get3A_250] : memref<1x16x3x10192xbf16, #tpu.memory_space<vmem>>, vector<1x1x3x9984xbf16>
    %get3A_252 = vector.shape_cast %get3A_251 : vector<1x1x3x9984xbf16> to vector<3x9984xbf16>
    %get3A_253 = arith.constant 0 : index
    %get3A_254 = arith.constant 8 : index
    %get3A_255 = arith.constant 0 : index
    %get3A_256 = arith.constant 104 : index
    %get3A_257 = vector.load %arg1[%get3A_253, %get3A_254, %get3A_255, %get3A_256] : memref<1x16x3x10192xbf16, #tpu.memory_space<vmem>>, vector<1x1x3x9984xbf16>
    %get3A_258 = vector.shape_cast %get3A_257 : vector<1x1x3x9984xbf16> to vector<3x9984xbf16>
    %get3A_259 = arith.constant 0 : index
    %get3A_260 = arith.constant 9 : index
    %get3A_261 = arith.constant 0 : index
    %get3A_262 = arith.constant 104 : index
    %get3A_263 = vector.load %arg1[%get3A_259, %get3A_260, %get3A_261, %get3A_262] : memref<1x16x3x10192xbf16, #tpu.memory_space<vmem>>, vector<1x1x3x9984xbf16>
    %get3A_264 = vector.shape_cast %get3A_263 : vector<1x1x3x9984xbf16> to vector<3x9984xbf16>
    %get3A_265 = arith.constant 0 : index
    %get3A_266 = arith.constant 10 : index
    %get3A_267 = arith.constant 0 : index
    %get3A_268 = arith.constant 104 : index
    %get3A_269 = vector.load %arg1[%get3A_265, %get3A_266, %get3A_267, %get3A_268] : memref<1x16x3x10192xbf16, #tpu.memory_space<vmem>>, vector<1x1x3x9984xbf16>
    %get3A_270 = vector.shape_cast %get3A_269 : vector<1x1x3x9984xbf16> to vector<3x9984xbf16>
    %get3A_271 = arith.constant 0 : index
    %get3A_272 = arith.constant 11 : index
    %get3A_273 = arith.constant 0 : index
    %get3A_274 = arith.constant 104 : index
    %get3A_275 = vector.load %arg1[%get3A_271, %get3A_272, %get3A_273, %get3A_274] : memref<1x16x3x10192xbf16, #tpu.memory_space<vmem>>, vector<1x1x3x9984xbf16>
    %get3A_276 = vector.shape_cast %get3A_275 : vector<1x1x3x9984xbf16> to vector<3x9984xbf16>
    %get3A_277 = arith.constant 0 : index
    %get3A_278 = arith.constant 8 : index
    %get3A_279 = arith.constant 0 : index
    %get3A_280 = arith.constant 105 : index
    %get3A_281 = vector.load %arg1[%get3A_277, %get3A_278, %get3A_279, %get3A_280] : memref<1x16x3x10192xbf16, #tpu.memory_space<vmem>>, vector<1x1x3x9984xbf16>
    %get3A_282 = vector.shape_cast %get3A_281 : vector<1x1x3x9984xbf16> to vector<3x9984xbf16>
    %get3A_283 = arith.constant 0 : index
    %get3A_284 = arith.constant 9 : index
    %get3A_285 = arith.constant 0 : index
    %get3A_286 = arith.constant 105 : index
    %get3A_287 = vector.load %arg1[%get3A_283, %get3A_284, %get3A_285, %get3A_286] : memref<1x16x3x10192xbf16, #tpu.memory_space<vmem>>, vector<1x1x3x9984xbf16>
    %get3A_288 = vector.shape_cast %get3A_287 : vector<1x1x3x9984xbf16> to vector<3x9984xbf16>
    %get3A_289 = arith.constant 0 : index
    %get3A_290 = arith.constant 10 : index
    %get3A_291 = arith.constant 0 : index
    %get3A_292 = arith.constant 105 : index
    %get3A_293 = vector.load %arg1[%get3A_289, %get3A_290, %get3A_291, %get3A_292] : memref<1x16x3x10192xbf16, #tpu.memory_space<vmem>>, vector<1x1x3x9984xbf16>
    %get3A_294 = vector.shape_cast %get3A_293 : vector<1x1x3x9984xbf16> to vector<3x9984xbf16>
    %concatenate3A = tpu.concatenate %get3A_6, %get3A_12, %get3A_18, %get3A_24, %get3A_30, %get3A_36, %get3A_42, %get3A_48, %get3A_54, %get3A_60, %get3A_66, %get3A_72, %get3A_78, %get3A_84, %get3A_90, %get3A_96, %get3A_102, %get3A_108, %get3A_114, %get3A_120, %get3A_126, %get3A_132, %get3A_138, %get3A_144, %get3A_150, %get3A_156, %get3A_162, %get3A_168, %get3A_174, %get3A_180, %get3A_186, %get3A_192, %get3A_198, %get3A_204, %get3A_210, %get3A_216, %get3A_222, %get3A_228, %get3A_234, %get3A_240, %get3A_246, %get3A_252, %get3A_258, %get3A_264, %get3A_270, %get3A_276, %get3A_282, %get3A_288, %get3A_294 in 0 : vector<3x9984xbf16>, vector<3x9984xbf16>, vector<3x9984xbf16>, vector<3x9984xbf16>, vector<3x9984xbf16>, vector<3x9984xbf16>, vector<3x9984xbf16>, vector<3x9984xbf16>, vector<3x9984xbf16>, vector<3x9984xbf16>, vector<3x9984xbf16>, vector<3x9984xbf16>, vector<3x9984xbf16>, vector<3x9984xbf16>, vector<3x9984xbf16>, vector<3x9984xbf16>, vector<3x9984xbf16>, vector<3x9984xbf16>, vector<3x9984xbf16>, vector<3x9984xbf16>, vector<3x9984xbf16>, vector<3x9984xbf16>, vector<3x9984xbf16>, vector<3x9984xbf16>, vector<3x9984xbf16>, vector<3x9984xbf16>, vector<3x9984xbf16>, vector<3x9984xbf16>, vector<3x9984xbf16>, vector<3x9984xbf16>, vector<3x9984xbf16>, vector<3x9984xbf16>, vector<3x9984xbf16>, vector<3x9984xbf16>, vector<3x9984xbf16>, vector<3x9984xbf16>, vector<3x9984xbf16>, vector<3x9984xbf16>, vector<3x9984xbf16>, vector<3x9984xbf16>, vector<3x9984xbf16>, vector<3x9984xbf16>, vector<3x9984xbf16>, vector<3x9984xbf16>, vector<3x9984xbf16>, vector<3x9984xbf16>, vector<3x9984xbf16>, vector<3x9984xbf16>, vector<3x9984xbf16> -> vector<147x9984xbf16>
    %get3A_295 = arith.constant 0 : index
    %get3A_296 = arith.constant 0 : index
    %get3A_297 = vector.load %arg2[%get3A_295, %get3A_296] : memref<128x147xbf16, #tpu.memory_space<vmem>>, vector<128x147xbf16>
    %dot_general3A = arith.constant dense<0.000000e+00> : vector<128x9984xf32>
    %dot_general3A_298 = tpu.matmul %get3A_297, %concatenate3A, %dot_general3A {dimension_numbers = #tpu.dot_dimension_numbers<[1], [0], [0], [1], [0, 0, 1, 1], [], []>, transpose_lhs_hint = false} : vector<128x147xbf16>, vector<147x9984xbf16>, vector<128x9984xf32> -> vector<128x9984xf32>
    %max3A = arith.constant 0.000000e+00 : f32
    %max3A_299 = vector.broadcast %max3A : f32 to vector<128x9984xf32>
    %max3A_300 = arith.maximumf %dot_general3A_298, %max3A_299 : vector<128x9984xf32>
    %transpose3A = tpu.transpose %max3A_300, [1, 0] : vector<128x9984xf32> -> vector<9984x128xf32>
    %reshape3A = vector.shape_cast %transpose3A : vector<9984x128xf32> to vector<96x104x128xf32>
    %slice3A = vector.extract_strided_slice %reshape3A {offsets = [0, 0, 0], sizes = [96, 96, 128], strides = [1, 1, 1]} : vector<96x104x128xf32> to vector<96x96x128xf32>
    %swap3A = arith.constant 1 : index
    %swap3A_301 = arith.constant 1 : index
    %swap3A_302 = arith.constant 0 : index
    %swap3A_303 = vector.load %arg9[%swap3A, %swap3A_301, %swap3A_302] : memref<98x98x128xf32, #tpu.memory_space<vmem>>, vector<96x96x128xf32>
    tpu.vector_store %arg9[%swap3A, %swap3A_301, %swap3A_302], %slice3A {strides = array<i32>} : memref<98x98x128xf32, #tpu.memory_space<vmem>>, vector<96x96x128xf32>,
    %get3A_304 = arith.constant 0 : index
    %get3A_305 = arith.constant 0 : index
    %get3A_306 = arith.constant 0 : index
    %get3A_307 = tpu.strided_load %arg9[%get3A_304, %get3A_305, %get3A_306] {strides = array<i32: 2, 2, 1>} : memref<98x98x128xf32, #tpu.memory_space<vmem>>, vector<48x48x128xf32>
    %convert_element_type3A_308 = arith.truncf %get3A_307 : vector<48x48x128xf32> to vector<48x48x128xbf16>
    %reshape3A_309 = vector.shape_cast %convert_element_type3A_308 : vector<48x48x128xbf16> to vector<2304x128xbf16>
    %get3A_310 = arith.constant 0 : index
    %get3A_311 = arith.constant 0 : index
    %get3A_312 = arith.constant 0 : index
    %get3A_313 = vector.load %arg3[%get3A_310, %get3A_311, %get3A_312] : memref<9x128x256xbf16, #tpu.memory_space<vmem>>, vector<1x128x256xbf16>
    %get3A_314 = vector.shape_cast %get3A_313 : vector<1x128x256xbf16> to vector<128x256xbf16>
    %dot_general3A_315 = arith.constant dense<0.000000e+00> : vector<2304x256xf32>
    %dot_general3A_316 = tpu.matmul %reshape3A_309, %get3A_314, %dot_general3A_315 {dimension_numbers = #tpu.dot_dimension_numbers<[1], [0], [0], [1], [0, 0, 1, 1], [], []>, transpose_lhs_hint = false} : vector<2304x128xbf16>, vector<128x256xbf16>, vector<2304x256xf32> -> vector<2304x256xf32>
    %get3A_317 = arith.constant 0 : index
    %get3A_318 = arith.constant 1 : index
    %get3A_319 = arith.constant 0 : index
    %get3A_320 = tpu.strided_load %arg9[%get3A_317, %get3A_318, %get3A_319] {strides = array<i32: 2, 2, 1>} : memref<98x98x128xf32, #tpu.memory_space<vmem>>, vector<48x48x128xf32>
    %convert_element_type3A_321 = arith.truncf %get3A_320 : vector<48x48x128xf32> to vector<48x48x128xbf16>
    %reshape3A_322 = vector.shape_cast %convert_element_type3A_321 : vector<48x48x128xbf16> to vector<2304x128xbf16>
    %get3A_323 = arith.constant 1 : index
    %get3A_324 = arith.constant 0 : index
    %get3A_325 = arith.constant 0 : index
    %get3A_326 = vector.load %arg3[%get3A_323, %get3A_324, %get3A_325] : memref<9x128x256xbf16, #tpu.memory_space<vmem>>, vector<1x128x256xbf16>
    %get3A_327 = vector.shape_cast %get3A_326 : vector<1x128x256xbf16> to vector<128x256xbf16>
    %dot_general3A_328 = arith.constant dense<0.000000e+00> : vector<2304x256xf32>
    %dot_general3A_329 = tpu.matmul %reshape3A_322, %get3A_327, %dot_general3A_328 {dimension_numbers = #tpu.dot_dimension_numbers<[1], [0], [0], [1], [0, 0, 1, 1], [], []>, transpose_lhs_hint = false} : vector<2304x128xbf16>, vector<128x256xbf16>, vector<2304x256xf32> -> vector<2304x256xf32>
    %add3A = arith.addf %dot_general3A_316, %dot_general3A_329 : vector<2304x256xf32>
    %get3A_330 = arith.constant 0 : index
    %get3A_331 = arith.constant 2 : index
    %get3A_332 = arith.constant 0 : index
    %get3A_333 = tpu.strided_load %arg9[%get3A_330, %get3A_331, %get3A_332] {strides = array<i32: 2, 2, 1>} : memref<98x98x128xf32, #tpu.memory_space<vmem>>, vector<48x48x128xf32>
    %convert_element_type3A_334 = arith.truncf %get3A_333 : vector<48x48x128xf32> to vector<48x48x128xbf16>
    %reshape3A_335 = vector.shape_cast %convert_element_type3A_334 : vector<48x48x128xbf16> to vector<2304x128xbf16>
    %get3A_336 = arith.constant 2 : index
    %get3A_337 = arith.constant 0 : index
    %get3A_338 = arith.constant 0 : index
    %get3A_339 = vector.load %arg3[%get3A_336, %get3A_337, %get3A_338] : memref<9x128x256xbf16, #tpu.memory_space<vmem>>, vector<1x128x256xbf16>
    %get3A_340 = vector.shape_cast %get3A_339 : vector<1x128x256xbf16> to vector<128x256xbf16>
    %dot_general3A_341 = arith.constant dense<0.000000e+00> : vector<2304x256xf32>
    %dot_general3A_342 = tpu.matmul %reshape3A_335, %get3A_340, %dot_general3A_341 {dimension_numbers = #tpu.dot_dimension_numbers<[1], [0], [0], [1], [0, 0, 1, 1], [], []>, transpose_lhs_hint = false} : vector<2304x128xbf16>, vector<128x256xbf16>, vector<2304x256xf32> -> vector<2304x256xf32>
    %add3A_343 = arith.addf %add3A, %dot_general3A_342 : vector<2304x256xf32>
    %get3A_344 = arith.constant 1 : index
    %get3A_345 = arith.constant 0 : index
    %get3A_346 = arith.constant 0 : index
    %get3A_347 = tpu.strided_load %arg9[%get3A_344, %get3A_345, %get3A_346] {strides = array<i32: 2, 2, 1>} : memref<98x98x128xf32, #tpu.memory_space<vmem>>, vector<48x48x128xf32>
    %convert_element_type3A_348 = arith.truncf %get3A_347 : vector<48x48x128xf32> to vector<48x48x128xbf16>
    %reshape3A_349 = vector.shape_cast %convert_element_type3A_348 : vector<48x48x128xbf16> to vector<2304x128xbf16>
    %get3A_350 = arith.constant 3 : index
    %get3A_351 = arith.constant 0 : index
    %get3A_352 = arith.constant 0 : index
    %get3A_353 = vector.load %arg3[%get3A_350, %get3A_351, %get3A_352] : memref<9x128x256xbf16, #tpu.memory_space<vmem>>, vector<1x128x256xbf16>
    %get3A_354 = vector.shape_cast %get3A_353 : vector<1x128x256xbf16> to vector<128x256xbf16>
    %dot_general3A_355 = arith.constant dense<0.000000e+00> : vector<2304x256xf32>
    %dot_general3A_356 = tpu.matmul %reshape3A_349, %get3A_354, %dot_general3A_355 {dimension_numbers = #tpu.dot_dimension_numbers<[1], [0], [0], [1], [0, 0, 1, 1], [], []>, transpose_lhs_hint = false} : vector<2304x128xbf16>, vector<128x256xbf16>, vector<2304x256xf32> -> vector<2304x256xf32>
    %add3A_357 = arith.addf %add3A_343, %dot_general3A_356 : vector<2304x256xf32>
    %get3A_358 = arith.constant 1 : index
    %get3A_359 = arith.constant 1 : index
    %get3A_360 = arith.constant 0 : index
    %get3A_361 = tpu.strided_load %arg9[%get3A_358, %get3A_359, %get3A_360] {strides = array<i32: 2, 2, 1>} : memref<98x98x128xf32, #tpu.memory_space<vmem>>, vector<48x48x128xf32>
    %convert_element_type3A_362 = arith.truncf %get3A_361 : vector<48x48x128xf32> to vector<48x48x128xbf16>
    %reshape3A_363 = vector.shape_cast %convert_element_type3A_362 : vector<48x48x128xbf16> to vector<2304x128xbf16>
    %get3A_364 = arith.constant 4 : index
    %get3A_365 = arith.constant 0 : index
    %get3A_366 = arith.constant 0 : index
    %get3A_367 = vector.load %arg3[%get3A_364, %get3A_365, %get3A_366] : memref<9x128x256xbf16, #tpu.memory_space<vmem>>, vector<1x128x256xbf16>
    %get3A_368 = vector.shape_cast %get3A_367 : vector<1x128x256xbf16> to vector<128x256xbf16>
    %dot_general3A_369 = arith.constant dense<0.000000e+00> : vector<2304x256xf32>
    %dot_general3A_370 = tpu.matmul %reshape3A_363, %get3A_368, %dot_general3A_369 {dimension_numbers = #tpu.dot_dimension_numbers<[1], [0], [0], [1], [0, 0, 1, 1], [], []>, transpose_lhs_hint = false} : vector<2304x128xbf16>, vector<128x256xbf16>, vector<2304x256xf32> -> vector<2304x256xf32>
    %add3A_371 = arith.addf %add3A_357, %dot_general3A_370 : vector<2304x256xf32>
    %get3A_372 = arith.constant 1 : index
    %get3A_373 = arith.constant 2 : index
    %get3A_374 = arith.constant 0 : index
    %get3A_375 = tpu.strided_load %arg9[%get3A_372, %get3A_373, %get3A_374] {strides = array<i32: 2, 2, 1>} : memref<98x98x128xf32, #tpu.memory_space<vmem>>, vector<48x48x128xf32>
    %convert_element_type3A_376 = arith.truncf %get3A_375 : vector<48x48x128xf32> to vector<48x48x128xbf16>
    %reshape3A_377 = vector.shape_cast %convert_element_type3A_376 : vector<48x48x128xbf16> to vector<2304x128xbf16>
    %get3A_378 = arith.constant 5 : index
    %get3A_379 = arith.constant 0 : index
    %get3A_380 = arith.constant 0 : index
    %get3A_381 = vector.load %arg3[%get3A_378, %get3A_379, %get3A_380] : memref<9x128x256xbf16, #tpu.memory_space<vmem>>, vector<1x128x256xbf16>
    %get3A_382 = vector.shape_cast %get3A_381 : vector<1x128x256xbf16> to vector<128x256xbf16>
    %dot_general3A_383 = arith.constant dense<0.000000e+00> : vector<2304x256xf32>
    %dot_general3A_384 = tpu.matmul %reshape3A_377, %get3A_382, %dot_general3A_383 {dimension_numbers = #tpu.dot_dimension_numbers<[1], [0], [0], [1], [0, 0, 1, 1], [], []>, transpose_lhs_hint = false} : vector<2304x128xbf16>, vector<128x256xbf16>, vector<2304x256xf32> -> vector<2304x256xf32>
    %add3A_385 = arith.addf %add3A_371, %dot_general3A_384 : vector<2304x256xf32>
    %get3A_386 = arith.constant 2 : index
    %get3A_387 = arith.constant 0 : index
    %get3A_388 = arith.constant 0 : index
    %get3A_389 = tpu.strided_load %arg9[%get3A_386, %get3A_387, %get3A_388] {strides = array<i32: 2, 2, 1>} : memref<98x98x128xf32, #tpu.memory_space<vmem>>, vector<48x48x128xf32>
    %convert_element_type3A_390 = arith.truncf %get3A_389 : vector<48x48x128xf32> to vector<48x48x128xbf16>
    %reshape3A_391 = vector.shape_cast %convert_element_type3A_390 : vector<48x48x128xbf16> to vector<2304x128xbf16>
    %get3A_392 = arith.constant 6 : index
    %get3A_393 = arith.constant 0 : index
    %get3A_394 = arith.constant 0 : index
    %get3A_395 = vector.load %arg3[%get3A_392, %get3A_393, %get3A_394] : memref<9x128x256xbf16, #tpu.memory_space<vmem>>, vector<1x128x256xbf16>
    %get3A_396 = vector.shape_cast %get3A_395 : vector<1x128x256xbf16> to vector<128x256xbf16>
    %dot_general3A_397 = arith.constant dense<0.000000e+00> : vector<2304x256xf32>
    %dot_general3A_398 = tpu.matmul %reshape3A_391, %get3A_396, %dot_general3A_397 {dimension_numbers = #tpu.dot_dimension_numbers<[1], [0], [0], [1], [0, 0, 1, 1], [], []>, transpose_lhs_hint = false} : vector<2304x128xbf16>, vector<128x256xbf16>, vector<2304x256xf32> -> vector<2304x256xf32>
    %add3A_399 = arith.addf %add3A_385, %dot_general3A_398 : vector<2304x256xf32>
    %get3A_400 = arith.constant 2 : index
    %get3A_401 = arith.constant 1 : index
    %get3A_402 = arith.constant 0 : index
    %get3A_403 = tpu.strided_load %arg9[%get3A_400, %get3A_401, %get3A_402] {strides = array<i32: 2, 2, 1>} : memref<98x98x128xf32, #tpu.memory_space<vmem>>, vector<48x48x128xf32>
    %convert_element_type3A_404 = arith.truncf %get3A_403 : vector<48x48x128xf32> to vector<48x48x128xbf16>
    %reshape3A_405 = vector.shape_cast %convert_element_type3A_404 : vector<48x48x128xbf16> to vector<2304x128xbf16>
    %get3A_406 = arith.constant 7 : index
    %get3A_407 = arith.constant 0 : index
    %get3A_408 = arith.constant 0 : index
    %get3A_409 = vector.load %arg3[%get3A_406, %get3A_407, %get3A_408] : memref<9x128x256xbf16, #tpu.memory_space<vmem>>, vector<1x128x256xbf16>
    %get3A_410 = vector.shape_cast %get3A_409 : vector<1x128x256xbf16> to vector<128x256xbf16>
    %dot_general3A_411 = arith.constant dense<0.000000e+00> : vector<2304x256xf32>
    %dot_general3A_412 = tpu.matmul %reshape3A_405, %get3A_410, %dot_general3A_411 {dimension_numbers = #tpu.dot_dimension_numbers<[1], [0], [0], [1], [0, 0, 1, 1], [], []>, transpose_lhs_hint = false} : vector<2304x128xbf16>, vector<128x256xbf16>, vector<2304x256xf32> -> vector<2304x256xf32>
    %add3A_413 = arith.addf %add3A_399, %dot_general3A_412 : vector<2304x256xf32>
    %get3A_414 = arith.constant 2 : index
    %get3A_415 = arith.constant 2 : index
    %get3A_416 = arith.constant 0 : index
    %get3A_417 = tpu.strided_load %arg9[%get3A_414, %get3A_415, %get3A_416] {strides = array<i32: 2, 2, 1>} : memref<98x98x128xf32, #tpu.memory_space<vmem>>, vector<48x48x128xf32>
    %convert_element_type3A_418 = arith.truncf %get3A_417 : vector<48x48x128xf32> to vector<48x48x128xbf16>
    %reshape3A_419 = vector.shape_cast %convert_element_type3A_418 : vector<48x48x128xbf16> to vector<2304x128xbf16>
    %get3A_420 = arith.constant 8 : index
    %get3A_421 = arith.constant 0 : index
    %get3A_422 = arith.constant 0 : index
    %get3A_423 = vector.load %arg3[%get3A_420, %get3A_421, %get3A_422] : memref<9x128x256xbf16, #tpu.memory_space<vmem>>, vector<1x128x256xbf16>
    %get3A_424 = vector.shape_cast %get3A_423 : vector<1x128x256xbf16> to vector<128x256xbf16>
    %dot_general3A_425 = arith.constant dense<0.000000e+00> : vector<2304x256xf32>
    %dot_general3A_426 = tpu.matmul %reshape3A_419, %get3A_424, %dot_general3A_425 {dimension_numbers = #tpu.dot_dimension_numbers<[1], [0], [0], [1], [0, 0, 1, 1], [], []>, transpose_lhs_hint = false} : vector<2304x128xbf16>, vector<128x256xbf16>, vector<2304x256xf32> -> vector<2304x256xf32>
    %add3A_427 = arith.addf %add3A_413, %dot_general3A_426 : vector<2304x256xf32>
    %max3A_428 = arith.constant 0.000000e+00 : f32
    %max3A_429 = vector.broadcast %max3A_428 : f32 to vector<2304x256xf32>
    %max3A_430 = arith.maximumf %add3A_427, %max3A_429 : vector<2304x256xf32>
    %slice3A_431 = vector.extract_strided_slice %max3A_430 {offsets = [0, 0], sizes = [2304, 192], strides = [1, 1]} : vector<2304x256xf32> to vector<2304x192xf32>
    %transpose3A_432 = tpu.transpose %slice3A_431, [1, 0] : vector<2304x192xf32> -> vector<192x2304xf32>
    %swap3A_433 = arith.constant 0 : index
    %swap3A_434 = arith.constant 0 : index
    %swap3A_435 = arith.constant 0 : index
    %swap3A_436 = vector.load %arg7[%swap3A_433, %swap3A_434, %swap3A_435] : memref<1x384x2304xf32, #tpu.memory_space<vmem>>, vector<1x192x2304xf32>
    %swap3A_437 = vector.shape_cast %swap3A_436 : vector<1x192x2304xf32> to vector<192x2304xf32>
    %swap3A_438 = vector.shape_cast %transpose3A_432 : vector<192x2304xf32> to vector<1x192x2304xf32>
    tpu.vector_store %arg7[%swap3A_433, %swap3A_434, %swap3A_435], %swap3A_438 {strides = array<i32>} : memref<1x384x2304xf32, #tpu.memory_space<vmem>>, vector<1x192x2304xf32>,
    %reshape3A_439 = vector.shape_cast %max3A_430 : vector<2304x256xf32> to vector<48x48x2x128xf32>
    %swap3A_440 = arith.constant 1 : index
    %swap3A_441 = arith.constant 1 : index
    %swap3A_442 = arith.constant 0 : index
    %swap3A_443 = arith.constant 0 : index
    %swap3A_444 = vector.load %arg10[%swap3A_440, %swap3A_441, %swap3A_442, %swap3A_443] : memref<50x50x2x128xf32, #tpu.memory_space<vmem>>, vector<48x48x2x128xf32>
    tpu.vector_store %arg10[%swap3A_440, %swap3A_441, %swap3A_442, %swap3A_443], %reshape3A_439 {strides = array<i32>} : memref<50x50x2x128xf32, #tpu.memory_space<vmem>>, vector<48x48x2x128xf32>,
    %get3A_445 = arith.constant 0 : index
    %get3A_446 = arith.constant 0 : index
    %get3A_447 = arith.constant 0 : index
    %get3A_448 = arith.constant 0 : index
    %get3A_449 = vector.load %arg10[%get3A_445, %get3A_446, %get3A_447, %get3A_448] : memref<50x50x2x128xf32, #tpu.memory_space<vmem>>, vector<48x48x2x128xf32>
    %convert_element_type3A_450 = arith.truncf %get3A_449 : vector<48x48x2x128xf32> to vector<48x48x2x128xbf16>
    %reshape3A_451 = vector.shape_cast %convert_element_type3A_450 : vector<48x48x2x128xbf16> to vector<2304x256xbf16>
    %get3A_452 = arith.constant 0 : index
    %get3A_453 = arith.constant 0 : index
    %get3A_454 = arith.constant 0 : index
    %get3A_455 = vector.load %arg4[%get3A_452, %get3A_453, %get3A_454] : memref<9x256x256xbf16, #tpu.memory_space<vmem>>, vector<1x256x256xbf16>
    %get3A_456 = vector.shape_cast %get3A_455 : vector<1x256x256xbf16> to vector<256x256xbf16>
    %dot_general3A_457 = arith.constant dense<0.000000e+00> : vector<2304x256xf32>
    %dot_general3A_458 = tpu.matmul %reshape3A_451, %get3A_456, %dot_general3A_457 {dimension_numbers = #tpu.dot_dimension_numbers<[1], [0], [0], [1], [0, 0, 1, 1], [], []>, transpose_lhs_hint = false} : vector<2304x256xbf16>, vector<256x256xbf16>, vector<2304x256xf32> -> vector<2304x256xf32>
    %get3A_459 = arith.constant 0 : index
    %get3A_460 = arith.constant 1 : index
    %get3A_461 = arith.constant 0 : index
    %get3A_462 = arith.constant 0 : index
    %get3A_463 = vector.load %arg10[%get3A_459, %get3A_460, %get3A_461, %get3A_462] : memref<50x50x2x128xf32, #tpu.memory_space<vmem>>, vector<48x48x2x128xf32>
    %convert_element_type3A_464 = arith.truncf %get3A_463 : vector<48x48x2x128xf32> to vector<48x48x2x128xbf16>
    %reshape3A_465 = vector.shape_cast %convert_element_type3A_464 : vector<48x48x2x128xbf16> to vector<2304x256xbf16>
    %get3A_466 = arith.constant 1 : index
    %get3A_467 = arith.constant 0 : index
    %get3A_468 = arith.constant 0 : index
    %get3A_469 = vector.load %arg4[%get3A_466, %get3A_467, %get3A_468] : memref<9x256x256xbf16, #tpu.memory_space<vmem>>, vector<1x256x256xbf16>
    %get3A_470 = vector.shape_cast %get3A_469 : vector<1x256x256xbf16> to vector<256x256xbf16>
    %dot_general3A_471 = arith.constant dense<0.000000e+00> : vector<2304x256xf32>
    %dot_general3A_472 = tpu.matmul %reshape3A_465, %get3A_470, %dot_general3A_471 {dimension_numbers = #tpu.dot_dimension_numbers<[1], [0], [0], [1], [0, 0, 1, 1], [], []>, transpose_lhs_hint = false} : vector<2304x256xbf16>, vector<256x256xbf16>, vector<2304x256xf32> -> vector<2304x256xf32>
    %add3A_473 = arith.addf %dot_general3A_458, %dot_general3A_472 : vector<2304x256xf32>
    %get3A_474 = arith.constant 0 : index
    %get3A_475 = arith.constant 2 : index
    %get3A_476 = arith.constant 0 : index
    %get3A_477 = arith.constant 0 : index
    %get3A_478 = vector.load %arg10[%get3A_474, %get3A_475, %get3A_476, %get3A_477] : memref<50x50x2x128xf32, #tpu.memory_space<vmem>>, vector<48x48x2x128xf32>
    %convert_element_type3A_479 = arith.truncf %get3A_478 : vector<48x48x2x128xf32> to vector<48x48x2x128xbf16>
    %reshape3A_480 = vector.shape_cast %convert_element_type3A_479 : vector<48x48x2x128xbf16> to vector<2304x256xbf16>
    %get3A_481 = arith.constant 2 : index
    %get3A_482 = arith.constant 0 : index
    %get3A_483 = arith.constant 0 : index
    %get3A_484 = vector.load %arg4[%get3A_481, %get3A_482, %get3A_483] : memref<9x256x256xbf16, #tpu.memory_space<vmem>>, vector<1x256x256xbf16>
    %get3A_485 = vector.shape_cast %get3A_484 : vector<1x256x256xbf16> to vector<256x256xbf16>
    %dot_general3A_486 = arith.constant dense<0.000000e+00> : vector<2304x256xf32>
    %dot_general3A_487 = tpu.matmul %reshape3A_480, %get3A_485, %dot_general3A_486 {dimension_numbers = #tpu.dot_dimension_numbers<[1], [0], [0], [1], [0, 0, 1, 1], [], []>, transpose_lhs_hint = false} : vector<2304x256xbf16>, vector<256x256xbf16>, vector<2304x256xf32> -> vector<2304x256xf32>
    %add3A_488 = arith.addf %add3A_473, %dot_general3A_487 : vector<2304x256xf32>
    %get3A_489 = arith.constant 1 : index
    %get3A_490 = arith.constant 0 : index
    %get3A_491 = arith.constant 0 : index
    %get3A_492 = arith.constant 0 : index
    %get3A_493 = vector.load %arg10[%get3A_489, %get3A_490, %get3A_491, %get3A_492] : memref<50x50x2x128xf32, #tpu.memory_space<vmem>>, vector<48x48x2x128xf32>
    %convert_element_type3A_494 = arith.truncf %get3A_493 : vector<48x48x2x128xf32> to vector<48x48x2x128xbf16>
    %reshape3A_495 = vector.shape_cast %convert_element_type3A_494 : vector<48x48x2x128xbf16> to vector<2304x256xbf16>
    %get3A_496 = arith.constant 3 : index
    %get3A_497 = arith.constant 0 : index
    %get3A_498 = arith.constant 0 : index
    %get3A_499 = vector.load %arg4[%get3A_496, %get3A_497, %get3A_498] : memref<9x256x256xbf16, #tpu.memory_space<vmem>>, vector<1x256x256xbf16>
    %get3A_500 = vector.shape_cast %get3A_499 : vector<1x256x256xbf16> to vector<256x256xbf16>
    %dot_general3A_501 = arith.constant dense<0.000000e+00> : vector<2304x256xf32>
    %dot_general3A_502 = tpu.matmul %reshape3A_495, %get3A_500, %dot_general3A_501 {dimension_numbers = #tpu.dot_dimension_numbers<[1], [0], [0], [1], [0, 0, 1, 1], [], []>, transpose_lhs_hint = false} : vector<2304x256xbf16>, vector<256x256xbf16>, vector<2304x256xf32> -> vector<2304x256xf32>
    %add3A_503 = arith.addf %add3A_488, %dot_general3A_502 : vector<2304x256xf32>
    %get3A_504 = arith.constant 1 : index
    %get3A_505 = arith.constant 1 : index
    %get3A_506 = arith.constant 0 : index
    %get3A_507 = arith.constant 0 : index
    %get3A_508 = vector.load %arg10[%get3A_504, %get3A_505, %get3A_506, %get3A_507] : memref<50x50x2x128xf32, #tpu.memory_space<vmem>>, vector<48x48x2x128xf32>
    %convert_element_type3A_509 = arith.truncf %get3A_508 : vector<48x48x2x128xf32> to vector<48x48x2x128xbf16>
    %reshape3A_510 = vector.shape_cast %convert_element_type3A_509 : vector<48x48x2x128xbf16> to vector<2304x256xbf16>
    %get3A_511 = arith.constant 4 : index
    %get3A_512 = arith.constant 0 : index
    %get3A_513 = arith.constant 0 : index
    %get3A_514 = vector.load %arg4[%get3A_511, %get3A_512, %get3A_513] : memref<9x256x256xbf16, #tpu.memory_space<vmem>>, vector<1x256x256xbf16>
    %get3A_515 = vector.shape_cast %get3A_514 : vector<1x256x256xbf16> to vector<256x256xbf16>
    %dot_general3A_516 = arith.constant dense<0.000000e+00> : vector<2304x256xf32>
    %dot_general3A_517 = tpu.matmul %reshape3A_510, %get3A_515, %dot_general3A_516 {dimension_numbers = #tpu.dot_dimension_numbers<[1], [0], [0], [1], [0, 0, 1, 1], [], []>, transpose_lhs_hint = false} : vector<2304x256xbf16>, vector<256x256xbf16>, vector<2304x256xf32> -> vector<2304x256xf32>
    %add3A_518 = arith.addf %add3A_503, %dot_general3A_517 : vector<2304x256xf32>
    %get3A_519 = arith.constant 1 : index
    %get3A_520 = arith.constant 2 : index
    %get3A_521 = arith.constant 0 : index
    %get3A_522 = arith.constant 0 : index
    %get3A_523 = vector.load %arg10[%get3A_519, %get3A_520, %get3A_521, %get3A_522] : memref<50x50x2x128xf32, #tpu.memory_space<vmem>>, vector<48x48x2x128xf32>
    %convert_element_type3A_524 = arith.truncf %get3A_523 : vector<48x48x2x128xf32> to vector<48x48x2x128xbf16>
    %reshape3A_525 = vector.shape_cast %convert_element_type3A_524 : vector<48x48x2x128xbf16> to vector<2304x256xbf16>
    %get3A_526 = arith.constant 5 : index
    %get3A_527 = arith.constant 0 : index
    %get3A_528 = arith.constant 0 : index
    %get3A_529 = vector.load %arg4[%get3A_526, %get3A_527, %get3A_528] : memref<9x256x256xbf16, #tpu.memory_space<vmem>>, vector<1x256x256xbf16>
    %get3A_530 = vector.shape_cast %get3A_529 : vector<1x256x256xbf16> to vector<256x256xbf16>
    %dot_general3A_531 = arith.constant dense<0.000000e+00> : vector<2304x256xf32>
    %dot_general3A_532 = tpu.matmul %reshape3A_525, %get3A_530, %dot_general3A_531 {dimension_numbers = #tpu.dot_dimension_numbers<[1], [0], [0], [1], [0, 0, 1, 1], [], []>, transpose_lhs_hint = false} : vector<2304x256xbf16>, vector<256x256xbf16>, vector<2304x256xf32> -> vector<2304x256xf32>
    %add3A_533 = arith.addf %add3A_518, %dot_general3A_532 : vector<2304x256xf32>
    %get3A_534 = arith.constant 2 : index
    %get3A_535 = arith.constant 0 : index
    %get3A_536 = arith.constant 0 : index
    %get3A_537 = arith.constant 0 : index
    %get3A_538 = vector.load %arg10[%get3A_534, %get3A_535, %get3A_536, %get3A_537] : memref<50x50x2x128xf32, #tpu.memory_space<vmem>>, vector<48x48x2x128xf32>
    %convert_element_type3A_539 = arith.truncf %get3A_538 : vector<48x48x2x128xf32> to vector<48x48x2x128xbf16>
    %reshape3A_540 = vector.shape_cast %convert_element_type3A_539 : vector<48x48x2x128xbf16> to vector<2304x256xbf16>
    %get3A_541 = arith.constant 6 : index
    %get3A_542 = arith.constant 0 : index
    %get3A_543 = arith.constant 0 : index
    %get3A_544 = vector.load %arg4[%get3A_541, %get3A_542, %get3A_543] : memref<9x256x256xbf16, #tpu.memory_space<vmem>>, vector<1x256x256xbf16>
    %get3A_545 = vector.shape_cast %get3A_544 : vector<1x256x256xbf16> to vector<256x256xbf16>
    %dot_general3A_546 = arith.constant dense<0.000000e+00> : vector<2304x256xf32>
    %dot_general3A_547 = tpu.matmul %reshape3A_540, %get3A_545, %dot_general3A_546 {dimension_numbers = #tpu.dot_dimension_numbers<[1], [0], [0], [1], [0, 0, 1, 1], [], []>, transpose_lhs_hint = false} : vector<2304x256xbf16>, vector<256x256xbf16>, vector<2304x256xf32> -> vector<2304x256xf32>
    %add3A_548 = arith.addf %add3A_533, %dot_general3A_547 : vector<2304x256xf32>
    %get3A_549 = arith.constant 2 : index
    %get3A_550 = arith.constant 1 : index
    %get3A_551 = arith.constant 0 : index
    %get3A_552 = arith.constant 0 : index
    %get3A_553 = vector.load %arg10[%get3A_549, %get3A_550, %get3A_551, %get3A_552] : memref<50x50x2x128xf32, #tpu.memory_space<vmem>>, vector<48x48x2x128xf32>
    %convert_element_type3A_554 = arith.truncf %get3A_553 : vector<48x48x2x128xf32> to vector<48x48x2x128xbf16>
    %reshape3A_555 = vector.shape_cast %convert_element_type3A_554 : vector<48x48x2x128xbf16> to vector<2304x256xbf16>
    %get3A_556 = arith.constant 7 : index
    %get3A_557 = arith.constant 0 : index
    %get3A_558 = arith.constant 0 : index
    %get3A_559 = vector.load %arg4[%get3A_556, %get3A_557, %get3A_558] : memref<9x256x256xbf16, #tpu.memory_space<vmem>>, vector<1x256x256xbf16>
    %get3A_560 = vector.shape_cast %get3A_559 : vector<1x256x256xbf16> to vector<256x256xbf16>
    %dot_general3A_561 = arith.constant dense<0.000000e+00> : vector<2304x256xf32>
    %dot_general3A_562 = tpu.matmul %reshape3A_555, %get3A_560, %dot_general3A_561 {dimension_numbers = #tpu.dot_dimension_numbers<[1], [0], [0], [1], [0, 0, 1, 1], [], []>, transpose_lhs_hint = false} : vector<2304x256xbf16>, vector<256x256xbf16>, vector<2304x256xf32> -> vector<2304x256xf32>
    %add3A_563 = arith.addf %add3A_548, %dot_general3A_562 : vector<2304x256xf32>
    %get3A_564 = arith.constant 2 : index
    %get3A_565 = arith.constant 2 : index
    %get3A_566 = arith.constant 0 : index
    %get3A_567 = arith.constant 0 : index
    %get3A_568 = vector.load %arg10[%get3A_564, %get3A_565, %get3A_566, %get3A_567] : memref<50x50x2x128xf32, #tpu.memory_space<vmem>>, vector<48x48x2x128xf32>
    %convert_element_type3A_569 = arith.truncf %get3A_568 : vector<48x48x2x128xf32> to vector<48x48x2x128xbf16>
    %reshape3A_570 = vector.shape_cast %convert_element_type3A_569 : vector<48x48x2x128xbf16> to vector<2304x256xbf16>
    %get3A_571 = arith.constant 8 : index
    %get3A_572 = arith.constant 0 : index
    %get3A_573 = arith.constant 0 : index
    %get3A_574 = vector.load %arg4[%get3A_571, %get3A_572, %get3A_573] : memref<9x256x256xbf16, #tpu.memory_space<vmem>>, vector<1x256x256xbf16>
    %get3A_575 = vector.shape_cast %get3A_574 : vector<1x256x256xbf16> to vector<256x256xbf16>
    %dot_general3A_576 = arith.constant dense<0.000000e+00> : vector<2304x256xf32>
    %dot_general3A_577 = tpu.matmul %reshape3A_570, %get3A_575, %dot_general3A_576 {dimension_numbers = #tpu.dot_dimension_numbers<[1], [0], [0], [1], [0, 0, 1, 1], [], []>, transpose_lhs_hint = false} : vector<2304x256xbf16>, vector<256x256xbf16>, vector<2304x256xf32> -> vector<2304x256xf32>
    %add3A_578 = arith.addf %add3A_563, %dot_general3A_577 : vector<2304x256xf32>
    %max3A_579 = arith.constant 0.000000e+00 : f32
    %max3A_580 = vector.broadcast %max3A_579 : f32 to vector<2304x256xf32>
    %max3A_581 = arith.maximumf %add3A_578, %max3A_580 : vector<2304x256xf32>
    %slice3A_582 = vector.extract_strided_slice %max3A_581 {offsets = [0, 0], sizes = [2304, 192], strides = [1, 1]} : vector<2304x256xf32> to vector<2304x192xf32>
    %transpose3A_583 = tpu.transpose %slice3A_582, [1, 0] : vector<2304x192xf32> -> vector<192x2304xf32>
    %swap3A_584 = arith.constant 0 : index
    %swap3A_585 = arith.constant 192 : index
    %swap3A_586 = arith.constant 0 : index
    %swap3A_587 = vector.load %arg7[%swap3A_584, %swap3A_585, %swap3A_586] : memref<1x384x2304xf32, #tpu.memory_space<vmem>>, vector<1x192x2304xf32>
    %swap3A_588 = vector.shape_cast %swap3A_587 : vector<1x192x2304xf32> to vector<192x2304xf32>
    %swap3A_589 = vector.shape_cast %transpose3A_583 : vector<192x2304xf32> to vector<1x192x2304xf32>
    tpu.vector_store %arg7[%swap3A_584, %swap3A_585, %swap3A_586], %swap3A_589 {strides = array<i32>} : memref<1x384x2304xf32, #tpu.memory_space<vmem>>, vector<1x192x2304xf32>,
    %reshape3A_590 = vector.shape_cast %max3A_581 : vector<2304x256xf32> to vector<48x48x2x128xf32>
    %swap3A_591 = arith.constant 1 : index
    %swap3A_592 = arith.constant 1 : index
    %swap3A_593 = arith.constant 0 : index
    %swap3A_594 = arith.constant 0 : index
    %swap3A_595 = vector.load %arg11[%swap3A_591, %swap3A_592, %swap3A_593, %swap3A_594] : memref<50x50x2x128xf32, #tpu.memory_space<vmem>>, vector<48x48x2x128xf32>
    tpu.vector_store %arg11[%swap3A_591, %swap3A_592, %swap3A_593, %swap3A_594], %reshape3A_590 {strides = array<i32>} : memref<50x50x2x128xf32, #tpu.memory_space<vmem>>, vector<48x48x2x128xf32>,
    %get3A_596 = arith.constant 0 : index
    %get3A_597 = arith.constant 0 : index
    %get3A_598 = arith.constant 0 : index
    %get3A_599 = arith.constant 0 : index
    %get3A_600 = tpu.strided_load %arg11[%get3A_596, %get3A_597, %get3A_598, %get3A_599] {strides = array<i32: 2, 2, 1, 1>} : memref<50x50x2x128xf32, #tpu.memory_space<vmem>>, vector<24x24x2x128xf32>
    %convert_element_type3A_601 = arith.truncf %get3A_600 : vector<24x24x2x128xf32> to vector<24x24x2x128xbf16>
    %reshape3A_602 = vector.shape_cast %convert_element_type3A_601 : vector<24x24x2x128xbf16> to vector<576x256xbf16>
    %get3A_603 = arith.constant 0 : index
    %get3A_604 = arith.constant 0 : index
    %get3A_605 = arith.constant 0 : index
    %get3A_606 = vector.load %arg5[%get3A_603, %get3A_604, %get3A_605] : memref<9x256x384xbf16, #tpu.memory_space<vmem>>, vector<1x256x384xbf16>
    %get3A_607 = vector.shape_cast %get3A_606 : vector<1x256x384xbf16> to vector<256x384xbf16>
    %dot_general3A_608 = arith.constant dense<0.000000e+00> : vector<576x384xf32>
    %dot_general3A_609 = tpu.matmul %reshape3A_602, %get3A_607, %dot_general3A_608 {dimension_numbers = #tpu.dot_dimension_numbers<[1], [0], [0], [1], [0, 0, 1, 1], [], []>, transpose_lhs_hint = false} : vector<576x256xbf16>, vector<256x384xbf16>, vector<576x384xf32> -> vector<576x384xf32>
    %get3A_610 = arith.constant 0 : index
    %get3A_611 = arith.constant 1 : index
    %get3A_612 = arith.constant 0 : index
    %get3A_613 = arith.constant 0 : index
    %get3A_614 = tpu.strided_load %arg11[%get3A_610, %get3A_611, %get3A_612, %get3A_613] {strides = array<i32: 2, 2, 1, 1>} : memref<50x50x2x128xf32, #tpu.memory_space<vmem>>, vector<24x24x2x128xf32>
    %convert_element_type3A_615 = arith.truncf %get3A_614 : vector<24x24x2x128xf32> to vector<24x24x2x128xbf16>
    %reshape3A_616 = vector.shape_cast %convert_element_type3A_615 : vector<24x24x2x128xbf16> to vector<576x256xbf16>
    %get3A_617 = arith.constant 1 : index
    %get3A_618 = arith.constant 0 : index
    %get3A_619 = arith.constant 0 : index
    %get3A_620 = vector.load %arg5[%get3A_617, %get3A_618, %get3A_619] : memref<9x256x384xbf16, #tpu.memory_space<vmem>>, vector<1x256x384xbf16>
    %get3A_621 = vector.shape_cast %get3A_620 : vector<1x256x384xbf16> to vector<256x384xbf16>
    %dot_general3A_622 = arith.constant dense<0.000000e+00> : vector<576x384xf32>
    %dot_general3A_623 = tpu.matmul %reshape3A_616, %get3A_621, %dot_general3A_622 {dimension_numbers = #tpu.dot_dimension_numbers<[1], [0], [0], [1], [0, 0, 1, 1], [], []>, transpose_lhs_hint = false} : vector<576x256xbf16>, vector<256x384xbf16>, vector<576x384xf32> -> vector<576x384xf32>
    %add3A_624 = arith.addf %dot_general3A_609, %dot_general3A_623 : vector<576x384xf32>
    %get3A_625 = arith.constant 0 : index
    %get3A_626 = arith.constant 2 : index
    %get3A_627 = arith.constant 0 : index
    %get3A_628 = arith.constant 0 : index
    %get3A_629 = tpu.strided_load %arg11[%get3A_625, %get3A_626, %get3A_627, %get3A_628] {strides = array<i32: 2, 2, 1, 1>} : memref<50x50x2x128xf32, #tpu.memory_space<vmem>>, vector<24x24x2x128xf32>
    %convert_element_type3A_630 = arith.truncf %get3A_629 : vector<24x24x2x128xf32> to vector<24x24x2x128xbf16>
    %reshape3A_631 = vector.shape_cast %convert_element_type3A_630 : vector<24x24x2x128xbf16> to vector<576x256xbf16>
    %get3A_632 = arith.constant 2 : index
    %get3A_633 = arith.constant 0 : index
    %get3A_634 = arith.constant 0 : index
    %get3A_635 = vector.load %arg5[%get3A_632, %get3A_633, %get3A_634] : memref<9x256x384xbf16, #tpu.memory_space<vmem>>, vector<1x256x384xbf16>
    %get3A_636 = vector.shape_cast %get3A_635 : vector<1x256x384xbf16> to vector<256x384xbf16>
    %dot_general3A_637 = arith.constant dense<0.000000e+00> : vector<576x384xf32>
    %dot_general3A_638 = tpu.matmul %reshape3A_631, %get3A_636, %dot_general3A_637 {dimension_numbers = #tpu.dot_dimension_numbers<[1], [0], [0], [1], [0, 0, 1, 1], [], []>, transpose_lhs_hint = false} : vector<576x256xbf16>, vector<256x384xbf16>, vector<576x384xf32> -> vector<576x384xf32>
    %add3A_639 = arith.addf %add3A_624, %dot_general3A_638 : vector<576x384xf32>
    %get3A_640 = arith.constant 1 : index
    %get3A_641 = arith.constant 0 : index
    %get3A_642 = arith.constant 0 : index
    %get3A_643 = arith.constant 0 : index
    %get3A_644 = tpu.strided_load %arg11[%get3A_640, %get3A_641, %get3A_642, %get3A_643] {strides = array<i32: 2, 2, 1, 1>} : memref<50x50x2x128xf32, #tpu.memory_space<vmem>>, vector<24x24x2x128xf32>
    %convert_element_type3A_645 = arith.truncf %get3A_644 : vector<24x24x2x128xf32> to vector<24x24x2x128xbf16>
    %reshape3A_646 = vector.shape_cast %convert_element_type3A_645 : vector<24x24x2x128xbf16> to vector<576x256xbf16>
    %get3A_647 = arith.constant 3 : index
    %get3A_648 = arith.constant 0 : index
    %get3A_649 = arith.constant 0 : index
    %get3A_650 = vector.load %arg5[%get3A_647, %get3A_648, %get3A_649] : memref<9x256x384xbf16, #tpu.memory_space<vmem>>, vector<1x256x384xbf16>
    %get3A_651 = vector.shape_cast %get3A_650 : vector<1x256x384xbf16> to vector<256x384xbf16>
    %dot_general3A_652 = arith.constant dense<0.000000e+00> : vector<576x384xf32>
    %dot_general3A_653 = tpu.matmul %reshape3A_646, %get3A_651, %dot_general3A_652 {dimension_numbers = #tpu.dot_dimension_numbers<[1], [0], [0], [1], [0, 0, 1, 1], [], []>, transpose_lhs_hint = false} : vector<576x256xbf16>, vector<256x384xbf16>, vector<576x384xf32> -> vector<576x384xf32>
    %add3A_654 = arith.addf %add3A_639, %dot_general3A_653 : vector<576x384xf32>
    %get3A_655 = arith.constant 1 : index
    %get3A_656 = arith.constant 1 : index
    %get3A_657 = arith.constant 0 : index
    %get3A_658 = arith.constant 0 : index
    %get3A_659 = tpu.strided_load %arg11[%get3A_655, %get3A_656, %get3A_657, %get3A_658] {strides = array<i32: 2, 2, 1, 1>} : memref<50x50x2x128xf32, #tpu.memory_space<vmem>>, vector<24x24x2x128xf32>
    %convert_element_type3A_660 = arith.truncf %get3A_659 : vector<24x24x2x128xf32> to vector<24x24x2x128xbf16>
    %reshape3A_661 = vector.shape_cast %convert_element_type3A_660 : vector<24x24x2x128xbf16> to vector<576x256xbf16>
    %get3A_662 = arith.constant 4 : index
    %get3A_663 = arith.constant 0 : index
    %get3A_664 = arith.constant 0 : index
    %get3A_665 = vector.load %arg5[%get3A_662, %get3A_663, %get3A_664] : memref<9x256x384xbf16, #tpu.memory_space<vmem>>, vector<1x256x384xbf16>
    %get3A_666 = vector.shape_cast %get3A_665 : vector<1x256x384xbf16> to vector<256x384xbf16>
    %dot_general3A_667 = arith.constant dense<0.000000e+00> : vector<576x384xf32>
    %dot_general3A_668 = tpu.matmul %reshape3A_661, %get3A_666, %dot_general3A_667 {dimension_numbers = #tpu.dot_dimension_numbers<[1], [0], [0], [1], [0, 0, 1, 1], [], []>, transpose_lhs_hint = false} : vector<576x256xbf16>, vector<256x384xbf16>, vector<576x384xf32> -> vector<576x384xf32>
    %add3A_669 = arith.addf %add3A_654, %dot_general3A_668 : vector<576x384xf32>
    %get3A_670 = arith.constant 1 : index
    %get3A_671 = arith.constant 2 : index
    %get3A_672 = arith.constant 0 : index
    %get3A_673 = arith.constant 0 : index
    %get3A_674 = tpu.strided_load %arg11[%get3A_670, %get3A_671, %get3A_672, %get3A_673] {strides = array<i32: 2, 2, 1, 1>} : memref<50x50x2x128xf32, #tpu.memory_space<vmem>>, vector<24x24x2x128xf32>
    %convert_element_type3A_675 = arith.truncf %get3A_674 : vector<24x24x2x128xf32> to vector<24x24x2x128xbf16>
    %reshape3A_676 = vector.shape_cast %convert_element_type3A_675 : vector<24x24x2x128xbf16> to vector<576x256xbf16>
    %get3A_677 = arith.constant 5 : index
    %get3A_678 = arith.constant 0 : index
    %get3A_679 = arith.constant 0 : index
    %get3A_680 = vector.load %arg5[%get3A_677, %get3A_678, %get3A_679] : memref<9x256x384xbf16, #tpu.memory_space<vmem>>, vector<1x256x384xbf16>
    %get3A_681 = vector.shape_cast %get3A_680 : vector<1x256x384xbf16> to vector<256x384xbf16>
    %dot_general3A_682 = arith.constant dense<0.000000e+00> : vector<576x384xf32>
    %dot_general3A_683 = tpu.matmul %reshape3A_676, %get3A_681, %dot_general3A_682 {dimension_numbers = #tpu.dot_dimension_numbers<[1], [0], [0], [1], [0, 0, 1, 1], [], []>, transpose_lhs_hint = false} : vector<576x256xbf16>, vector<256x384xbf16>, vector<576x384xf32> -> vector<576x384xf32>
    %add3A_684 = arith.addf %add3A_669, %dot_general3A_683 : vector<576x384xf32>
    %get3A_685 = arith.constant 2 : index
    %get3A_686 = arith.constant 0 : index
    %get3A_687 = arith.constant 0 : index
    %get3A_688 = arith.constant 0 : index
    %get3A_689 = tpu.strided_load %arg11[%get3A_685, %get3A_686, %get3A_687, %get3A_688] {strides = array<i32: 2, 2, 1, 1>} : memref<50x50x2x128xf32, #tpu.memory_space<vmem>>, vector<24x24x2x128xf32>
    %convert_element_type3A_690 = arith.truncf %get3A_689 : vector<24x24x2x128xf32> to vector<24x24x2x128xbf16>
    %reshape3A_691 = vector.shape_cast %convert_element_type3A_690 : vector<24x24x2x128xbf16> to vector<576x256xbf16>
    %get3A_692 = arith.constant 6 : index
    %get3A_693 = arith.constant 0 : index
    %get3A_694 = arith.constant 0 : index
    %get3A_695 = vector.load %arg5[%get3A_692, %get3A_693, %get3A_694] : memref<9x256x384xbf16, #tpu.memory_space<vmem>>, vector<1x256x384xbf16>
    %get3A_696 = vector.shape_cast %get3A_695 : vector<1x256x384xbf16> to vector<256x384xbf16>
    %dot_general3A_697 = arith.constant dense<0.000000e+00> : vector<576x384xf32>
    %dot_general3A_698 = tpu.matmul %reshape3A_691, %get3A_696, %dot_general3A_697 {dimension_numbers = #tpu.dot_dimension_numbers<[1], [0], [0], [1], [0, 0, 1, 1], [], []>, transpose_lhs_hint = false} : vector<576x256xbf16>, vector<256x384xbf16>, vector<576x384xf32> -> vector<576x384xf32>
    %add3A_699 = arith.addf %add3A_684, %dot_general3A_698 : vector<576x384xf32>
    %get3A_700 = arith.constant 2 : index
    %get3A_701 = arith.constant 1 : index
    %get3A_702 = arith.constant 0 : index
    %get3A_703 = arith.constant 0 : index
    %get3A_704 = tpu.strided_load %arg11[%get3A_700, %get3A_701, %get3A_702, %get3A_703] {strides = array<i32: 2, 2, 1, 1>} : memref<50x50x2x128xf32, #tpu.memory_space<vmem>>, vector<24x24x2x128xf32>
    %convert_element_type3A_705 = arith.truncf %get3A_704 : vector<24x24x2x128xf32> to vector<24x24x2x128xbf16>
    %reshape3A_706 = vector.shape_cast %convert_element_type3A_705 : vector<24x24x2x128xbf16> to vector<576x256xbf16>
    %get3A_707 = arith.constant 7 : index
    %get3A_708 = arith.constant 0 : index
    %get3A_709 = arith.constant 0 : index
    %get3A_710 = vector.load %arg5[%get3A_707, %get3A_708, %get3A_709] : memref<9x256x384xbf16, #tpu.memory_space<vmem>>, vector<1x256x384xbf16>
    %get3A_711 = vector.shape_cast %get3A_710 : vector<1x256x384xbf16> to vector<256x384xbf16>
    %dot_general3A_712 = arith.constant dense<0.000000e+00> : vector<576x384xf32>
    %dot_general3A_713 = tpu.matmul %reshape3A_706, %get3A_711, %dot_general3A_712 {dimension_numbers = #tpu.dot_dimension_numbers<[1], [0], [0], [1], [0, 0, 1, 1], [], []>, transpose_lhs_hint = false} : vector<576x256xbf16>, vector<256x384xbf16>, vector<576x384xf32> -> vector<576x384xf32>
    %add3A_714 = arith.addf %add3A_699, %dot_general3A_713 : vector<576x384xf32>
    %get3A_715 = arith.constant 2 : index
    %get3A_716 = arith.constant 2 : index
    %get3A_717 = arith.constant 0 : index
    %get3A_718 = arith.constant 0 : index
    %get3A_719 = tpu.strided_load %arg11[%get3A_715, %get3A_716, %get3A_717, %get3A_718] {strides = array<i32: 2, 2, 1, 1>} : memref<50x50x2x128xf32, #tpu.memory_space<vmem>>, vector<24x24x2x128xf32>
    %convert_element_type3A_720 = arith.truncf %get3A_719 : vector<24x24x2x128xf32> to vector<24x24x2x128xbf16>
    %reshape3A_721 = vector.shape_cast %convert_element_type3A_720 : vector<24x24x2x128xbf16> to vector<576x256xbf16>
    %get3A_722 = arith.constant 8 : index
    %get3A_723 = arith.constant 0 : index
    %get3A_724 = arith.constant 0 : index
    %get3A_725 = vector.load %arg5[%get3A_722, %get3A_723, %get3A_724] : memref<9x256x384xbf16, #tpu.memory_space<vmem>>, vector<1x256x384xbf16>
    %get3A_726 = vector.shape_cast %get3A_725 : vector<1x256x384xbf16> to vector<256x384xbf16>
    %dot_general3A_727 = arith.constant dense<0.000000e+00> : vector<576x384xf32>
    %dot_general3A_728 = tpu.matmul %reshape3A_721, %get3A_726, %dot_general3A_727 {dimension_numbers = #tpu.dot_dimension_numbers<[1], [0], [0], [1], [0, 0, 1, 1], [], []>, transpose_lhs_hint = false} : vector<576x256xbf16>, vector<256x384xbf16>, vector<576x384xf32> -> vector<576x384xf32>
    %add3A_729 = arith.addf %add3A_714, %dot_general3A_728 : vector<576x384xf32>
    %max3A_730 = arith.constant 0.000000e+00 : f32
    %max3A_731 = vector.broadcast %max3A_730 : f32 to vector<576x384xf32>
    %max3A_732 = arith.maximumf %add3A_729, %max3A_731 : vector<576x384xf32>
    %broadcast_in_dim3A = arith.constant 0.000000e+00 : f32
    %broadcast_in_dim3A_733 = vector.broadcast %broadcast_in_dim3A : f32 to vector<768x64xf32>
    %swap3A_734 = arith.constant 0 : index
    %swap3A_735 = arith.constant 0 : index
    %swap3A_736 = arith.constant 576 : index
    %swap3A_737 = vector.load %arg8[%swap3A_734, %swap3A_735, %swap3A_736] : memref<1x768x640xf32, #tpu.memory_space<vmem>>, vector<1x768x64xf32>
    %swap3A_738 = vector.shape_cast %swap3A_737 : vector<1x768x64xf32> to vector<768x64xf32>
    %swap3A_739 = vector.shape_cast %broadcast_in_dim3A_733 : vector<768x64xf32> to vector<1x768x64xf32>
    tpu.vector_store %arg8[%swap3A_734, %swap3A_735, %swap3A_736], %swap3A_739 {strides = array<i32>} : memref<1x768x640xf32, #tpu.memory_space<vmem>>, vector<1x768x64xf32>,
    %transpose3A_740 = tpu.transpose %max3A_732, [1, 0] : vector<576x384xf32> -> vector<384x576xf32>
    %swap3A_741 = arith.constant 0 : index
    %swap3A_742 = arith.constant 0 : index
    %swap3A_743 = arith.constant 0 : index
    %swap3A_744 = vector.load %arg8[%swap3A_741, %swap3A_742, %swap3A_743] : memref<1x768x640xf32, #tpu.memory_space<vmem>>, vector<1x384x576xf32>
    %swap3A_745 = vector.shape_cast %swap3A_744 : vector<1x384x576xf32> to vector<384x576xf32>
    %swap3A_746 = vector.shape_cast %transpose3A_740 : vector<384x576xf32> to vector<1x384x576xf32>
    tpu.vector_store %arg8[%swap3A_741, %swap3A_742, %swap3A_743], %swap3A_746 {strides = array<i32>} : memref<1x768x640xf32, #tpu.memory_space<vmem>>, vector<1x384x576xf32>,
    %reshape3A_747 = vector.shape_cast %max3A_732 : vector<576x384xf32> to vector<24x24x3x128xf32>
    %swap3A_748 = arith.constant 1 : index
    %swap3A_749 = arith.constant 1 : index
    %swap3A_750 = arith.constant 0 : index
    %swap3A_751 = arith.constant 0 : index
    %swap3A_752 = vector.load %arg12[%swap3A_748, %swap3A_749, %swap3A_750, %swap3A_751] : memref<26x26x3x128xf32, #tpu.memory_space<vmem>>, vector<24x24x3x128xf32>
    tpu.vector_store %arg12[%swap3A_748, %swap3A_749, %swap3A_750, %swap3A_751], %reshape3A_747 {strides = array<i32>} : memref<26x26x3x128xf32, #tpu.memory_space<vmem>>, vector<24x24x3x128xf32>,
    %get3A_753 = arith.constant 0 : index
    %get3A_754 = arith.constant 0 : index
    %get3A_755 = arith.constant 0 : index
    %get3A_756 = arith.constant 0 : index
    %get3A_757 = vector.load %arg12[%get3A_753, %get3A_754, %get3A_755, %get3A_756] : memref<26x26x3x128xf32, #tpu.memory_space<vmem>>, vector<24x24x3x128xf32>
    %convert_element_type3A_758 = arith.truncf %get3A_757 : vector<24x24x3x128xf32> to vector<24x24x3x128xbf16>
    %reshape3A_759 = vector.shape_cast %convert_element_type3A_758 : vector<24x24x3x128xbf16> to vector<576x384xbf16>
    %get3A_760 = arith.constant 0 : index
    %get3A_761 = arith.constant 0 : index
    %get3A_762 = arith.constant 0 : index
    %get3A_763 = vector.load %arg6[%get3A_760, %get3A_761, %get3A_762] : memref<9x384x384xbf16, #tpu.memory_space<vmem>>, vector<1x384x384xbf16>
    %get3A_764 = vector.shape_cast %get3A_763 : vector<1x384x384xbf16> to vector<384x384xbf16>
    %dot_general3A_765 = arith.constant dense<0.000000e+00> : vector<576x384xf32>
    %dot_general3A_766 = tpu.matmul %reshape3A_759, %get3A_764, %dot_general3A_765 {dimension_numbers = #tpu.dot_dimension_numbers<[1], [0], [0], [1], [0, 0, 1, 1], [], []>, transpose_lhs_hint = false} : vector<576x384xbf16>, vector<384x384xbf16>, vector<576x384xf32> -> vector<576x384xf32>
    %get3A_767 = arith.constant 0 : index
    %get3A_768 = arith.constant 1 : index
    %get3A_769 = arith.constant 0 : index
    %get3A_770 = arith.constant 0 : index
    %get3A_771 = vector.load %arg12[%get3A_767, %get3A_768, %get3A_769, %get3A_770] : memref<26x26x3x128xf32, #tpu.memory_space<vmem>>, vector<24x24x3x128xf32>
    %convert_element_type3A_772 = arith.truncf %get3A_771 : vector<24x24x3x128xf32> to vector<24x24x3x128xbf16>
    %reshape3A_773 = vector.shape_cast %convert_element_type3A_772 : vector<24x24x3x128xbf16> to vector<576x384xbf16>
    %get3A_774 = arith.constant 1 : index
    %get3A_775 = arith.constant 0 : index
    %get3A_776 = arith.constant 0 : index
    %get3A_777 = vector.load %arg6[%get3A_774, %get3A_775, %get3A_776] : memref<9x384x384xbf16, #tpu.memory_space<vmem>>, vector<1x384x384xbf16>
    %get3A_778 = vector.shape_cast %get3A_777 : vector<1x384x384xbf16> to vector<384x384xbf16>
    %dot_general3A_779 = arith.constant dense<0.000000e+00> : vector<576x384xf32>
    %dot_general3A_780 = tpu.matmul %reshape3A_773, %get3A_778, %dot_general3A_779 {dimension_numbers = #tpu.dot_dimension_numbers<[1], [0], [0], [1], [0, 0, 1, 1], [], []>, transpose_lhs_hint = false} : vector<576x384xbf16>, vector<384x384xbf16>, vector<576x384xf32> -> vector<576x384xf32>
    %add3A_781 = arith.addf %dot_general3A_766, %dot_general3A_780 : vector<576x384xf32>
    %get3A_782 = arith.constant 0 : index
    %get3A_783 = arith.constant 2 : index
    %get3A_784 = arith.constant 0 : index
    %get3A_785 = arith.constant 0 : index
    %get3A_786 = vector.load %arg12[%get3A_782, %get3A_783, %get3A_784, %get3A_785] : memref<26x26x3x128xf32, #tpu.memory_space<vmem>>, vector<24x24x3x128xf32>
    %convert_element_type3A_787 = arith.truncf %get3A_786 : vector<24x24x3x128xf32> to vector<24x24x3x128xbf16>
    %reshape3A_788 = vector.shape_cast %convert_element_type3A_787 : vector<24x24x3x128xbf16> to vector<576x384xbf16>
    %get3A_789 = arith.constant 2 : index
    %get3A_790 = arith.constant 0 : index
    %get3A_791 = arith.constant 0 : index
    %get3A_792 = vector.load %arg6[%get3A_789, %get3A_790, %get3A_791] : memref<9x384x384xbf16, #tpu.memory_space<vmem>>, vector<1x384x384xbf16>
    %get3A_793 = vector.shape_cast %get3A_792 : vector<1x384x384xbf16> to vector<384x384xbf16>
    %dot_general3A_794 = arith.constant dense<0.000000e+00> : vector<576x384xf32>
    %dot_general3A_795 = tpu.matmul %reshape3A_788, %get3A_793, %dot_general3A_794 {dimension_numbers = #tpu.dot_dimension_numbers<[1], [0], [0], [1], [0, 0, 1, 1], [], []>, transpose_lhs_hint = false} : vector<576x384xbf16>, vector<384x384xbf16>, vector<576x384xf32> -> vector<576x384xf32>
    %add3A_796 = arith.addf %add3A_781, %dot_general3A_795 : vector<576x384xf32>
    %get3A_797 = arith.constant 1 : index
    %get3A_798 = arith.constant 0 : index
    %get3A_799 = arith.constant 0 : index
    %get3A_800 = arith.constant 0 : index
    %get3A_801 = vector.load %arg12[%get3A_797, %get3A_798, %get3A_799, %get3A_800] : memref<26x26x3x128xf32, #tpu.memory_space<vmem>>, vector<24x24x3x128xf32>
    %convert_element_type3A_802 = arith.truncf %get3A_801 : vector<24x24x3x128xf32> to vector<24x24x3x128xbf16>
    %reshape3A_803 = vector.shape_cast %convert_element_type3A_802 : vector<24x24x3x128xbf16> to vector<576x384xbf16>
    %get3A_804 = arith.constant 3 : index
    %get3A_805 = arith.constant 0 : index
    %get3A_806 = arith.constant 0 : index
    %get3A_807 = vector.load %arg6[%get3A_804, %get3A_805, %get3A_806] : memref<9x384x384xbf16, #tpu.memory_space<vmem>>, vector<1x384x384xbf16>
    %get3A_808 = vector.shape_cast %get3A_807 : vector<1x384x384xbf16> to vector<384x384xbf16>
    %dot_general3A_809 = arith.constant dense<0.000000e+00> : vector<576x384xf32>
    %dot_general3A_810 = tpu.matmul %reshape3A_803, %get3A_808, %dot_general3A_809 {dimension_numbers = #tpu.dot_dimension_numbers<[1], [0], [0], [1], [0, 0, 1, 1], [], []>, transpose_lhs_hint = false} : vector<576x384xbf16>, vector<384x384xbf16>, vector<576x384xf32> -> vector<576x384xf32>
    %add3A_811 = arith.addf %add3A_796, %dot_general3A_810 : vector<576x384xf32>
    %get3A_812 = arith.constant 1 : index
    %get3A_813 = arith.constant 1 : index
    %get3A_814 = arith.constant 0 : index
    %get3A_815 = arith.constant 0 : index
    %get3A_816 = vector.load %arg12[%get3A_812, %get3A_813, %get3A_814, %get3A_815] : memref<26x26x3x128xf32, #tpu.memory_space<vmem>>, vector<24x24x3x128xf32>
    %convert_element_type3A_817 = arith.truncf %get3A_816 : vector<24x24x3x128xf32> to vector<24x24x3x128xbf16>
    %reshape3A_818 = vector.shape_cast %convert_element_type3A_817 : vector<24x24x3x128xbf16> to vector<576x384xbf16>
    %get3A_819 = arith.constant 4 : index
    %get3A_820 = arith.constant 0 : index
    %get3A_821 = arith.constant 0 : index
    %get3A_822 = vector.load %arg6[%get3A_819, %get3A_820, %get3A_821] : memref<9x384x384xbf16, #tpu.memory_space<vmem>>, vector<1x384x384xbf16>
    %get3A_823 = vector.shape_cast %get3A_822 : vector<1x384x384xbf16> to vector<384x384xbf16>
    %dot_general3A_824 = arith.constant dense<0.000000e+00> : vector<576x384xf32>
    %dot_general3A_825 = tpu.matmul %reshape3A_818, %get3A_823, %dot_general3A_824 {dimension_numbers = #tpu.dot_dimension_numbers<[1], [0], [0], [1], [0, 0, 1, 1], [], []>, transpose_lhs_hint = false} : vector<576x384xbf16>, vector<384x384xbf16>, vector<576x384xf32> -> vector<576x384xf32>
    %add3A_826 = arith.addf %add3A_811, %dot_general3A_825 : vector<576x384xf32>
    %get3A_827 = arith.constant 1 : index
    %get3A_828 = arith.constant 2 : index
    %get3A_829 = arith.constant 0 : index
    %get3A_830 = arith.constant 0 : index
    %get3A_831 = vector.load %arg12[%get3A_827, %get3A_828, %get3A_829, %get3A_830] : memref<26x26x3x128xf32, #tpu.memory_space<vmem>>, vector<24x24x3x128xf32>
    %convert_element_type3A_832 = arith.truncf %get3A_831 : vector<24x24x3x128xf32> to vector<24x24x3x128xbf16>
    %reshape3A_833 = vector.shape_cast %convert_element_type3A_832 : vector<24x24x3x128xbf16> to vector<576x384xbf16>
    %get3A_834 = arith.constant 5 : index
    %get3A_835 = arith.constant 0 : index
    %get3A_836 = arith.constant 0 : index
    %get3A_837 = vector.load %arg6[%get3A_834, %get3A_835, %get3A_836] : memref<9x384x384xbf16, #tpu.memory_space<vmem>>, vector<1x384x384xbf16>
    %get3A_838 = vector.shape_cast %get3A_837 : vector<1x384x384xbf16> to vector<384x384xbf16>
    %dot_general3A_839 = arith.constant dense<0.000000e+00> : vector<576x384xf32>
    %dot_general3A_840 = tpu.matmul %reshape3A_833, %get3A_838, %dot_general3A_839 {dimension_numbers = #tpu.dot_dimension_numbers<[1], [0], [0], [1], [0, 0, 1, 1], [], []>, transpose_lhs_hint = false} : vector<576x384xbf16>, vector<384x384xbf16>, vector<576x384xf32> -> vector<576x384xf32>
    %add3A_841 = arith.addf %add3A_826, %dot_general3A_840 : vector<576x384xf32>
    %get3A_842 = arith.constant 2 : index
    %get3A_843 = arith.constant 0 : index
    %get3A_844 = arith.constant 0 : index
    %get3A_845 = arith.constant 0 : index
    %get3A_846 = vector.load %arg12[%get3A_842, %get3A_843, %get3A_844, %get3A_845] : memref<26x26x3x128xf32, #tpu.memory_space<vmem>>, vector<24x24x3x128xf32>
    %convert_element_type3A_847 = arith.truncf %get3A_846 : vector<24x24x3x128xf32> to vector<24x24x3x128xbf16>
    %reshape3A_848 = vector.shape_cast %convert_element_type3A_847 : vector<24x24x3x128xbf16> to vector<576x384xbf16>
    %get3A_849 = arith.constant 6 : index
    %get3A_850 = arith.constant 0 : index
    %get3A_851 = arith.constant 0 : index
    %get3A_852 = vector.load %arg6[%get3A_849, %get3A_850, %get3A_851] : memref<9x384x384xbf16, #tpu.memory_space<vmem>>, vector<1x384x384xbf16>
    %get3A_853 = vector.shape_cast %get3A_852 : vector<1x384x384xbf16> to vector<384x384xbf16>
    %dot_general3A_854 = arith.constant dense<0.000000e+00> : vector<576x384xf32>
    %dot_general3A_855 = tpu.matmul %reshape3A_848, %get3A_853, %dot_general3A_854 {dimension_numbers = #tpu.dot_dimension_numbers<[1], [0], [0], [1], [0, 0, 1, 1], [], []>, transpose_lhs_hint = false} : vector<576x384xbf16>, vector<384x384xbf16>, vector<576x384xf32> -> vector<576x384xf32>
    %add3A_856 = arith.addf %add3A_841, %dot_general3A_855 : vector<576x384xf32>
    %get3A_857 = arith.constant 2 : index
    %get3A_858 = arith.constant 1 : index
    %get3A_859 = arith.constant 0 : index
    %get3A_860 = arith.constant 0 : index
    %get3A_861 = vector.load %arg12[%get3A_857, %get3A_858, %get3A_859, %get3A_860] : memref<26x26x3x128xf32, #tpu.memory_space<vmem>>, vector<24x24x3x128xf32>
    %convert_element_type3A_862 = arith.truncf %get3A_861 : vector<24x24x3x128xf32> to vector<24x24x3x128xbf16>
    %reshape3A_863 = vector.shape_cast %convert_element_type3A_862 : vector<24x24x3x128xbf16> to vector<576x384xbf16>
    %get3A_864 = arith.constant 7 : index
    %get3A_865 = arith.constant 0 : index
    %get3A_866 = arith.constant 0 : index
    %get3A_867 = vector.load %arg6[%get3A_864, %get3A_865, %get3A_866] : memref<9x384x384xbf16, #tpu.memory_space<vmem>>, vector<1x384x384xbf16>
    %get3A_868 = vector.shape_cast %get3A_867 : vector<1x384x384xbf16> to vector<384x384xbf16>
    %dot_general3A_869 = arith.constant dense<0.000000e+00> : vector<576x384xf32>
    %dot_general3A_870 = tpu.matmul %reshape3A_863, %get3A_868, %dot_general3A_869 {dimension_numbers = #tpu.dot_dimension_numbers<[1], [0], [0], [1], [0, 0, 1, 1], [], []>, transpose_lhs_hint = false} : vector<576x384xbf16>, vector<384x384xbf16>, vector<576x384xf32> -> vector<576x384xf32>
    %add3A_871 = arith.addf %add3A_856, %dot_general3A_870 : vector<576x384xf32>
    %get3A_872 = arith.constant 2 : index
    %get3A_873 = arith.constant 2 : index
    %get3A_874 = arith.constant 0 : index
    %get3A_875 = arith.constant 0 : index
    %get3A_876 = vector.load %arg12[%get3A_872, %get3A_873, %get3A_874, %get3A_875] : memref<26x26x3x128xf32, #tpu.memory_space<vmem>>, vector<24x24x3x128xf32>
    %convert_element_type3A_877 = arith.truncf %get3A_876 : vector<24x24x3x128xf32> to vector<24x24x3x128xbf16>
    %reshape3A_878 = vector.shape_cast %convert_element_type3A_877 : vector<24x24x3x128xbf16> to vector<576x384xbf16>
    %get3A_879 = arith.constant 8 : index
    %get3A_880 = arith.constant 0 : index
    %get3A_881 = arith.constant 0 : index
    %get3A_882 = vector.load %arg6[%get3A_879, %get3A_880, %get3A_881] : memref<9x384x384xbf16, #tpu.memory_space<vmem>>, vector<1x384x384xbf16>
    %get3A_883 = vector.shape_cast %get3A_882 : vector<1x384x384xbf16> to vector<384x384xbf16>
    %dot_general3A_884 = arith.constant dense<0.000000e+00> : vector<576x384xf32>
    %dot_general3A_885 = tpu.matmul %reshape3A_878, %get3A_883, %dot_general3A_884 {dimension_numbers = #tpu.dot_dimension_numbers<[1], [0], [0], [1], [0, 0, 1, 1], [], []>, transpose_lhs_hint = false} : vector<576x384xbf16>, vector<384x384xbf16>, vector<576x384xf32> -> vector<576x384xf32>
    %add3A_886 = arith.addf %add3A_871, %dot_general3A_885 : vector<576x384xf32>
    %max3A_887 = arith.constant 0.000000e+00 : f32
    %max3A_888 = vector.broadcast %max3A_887 : f32 to vector<576x384xf32>
    %max3A_889 = arith.maximumf %add3A_886, %max3A_888 : vector<576x384xf32>
    %transpose3A_890 = tpu.transpose %max3A_889, [1, 0] : vector<576x384xf32> -> vector<384x576xf32>
    %swap3A_891 = arith.constant 0 : index
    %swap3A_892 = arith.constant 384 : index
    %swap3A_893 = arith.constant 0 : index
    %swap3A_894 = vector.load %arg8[%swap3A_891, %swap3A_892, %swap3A_893] : memref<1x768x640xf32, #tpu.memory_space<vmem>>, vector<1x384x576xf32>
    %swap3A_895 = vector.shape_cast %swap3A_894 : vector<1x384x576xf32> to vector<384x576xf32>
    %swap3A_896 = vector.shape_cast %transpose3A_890 : vector<384x576xf32> to vector<1x384x576xf32>
    tpu.vector_store %arg8[%swap3A_891, %swap3A_892, %swap3A_893], %swap3A_896 {strides = array<i32>} : memref<1x768x640xf32, #tpu.memory_space<vmem>>, vector<1x384x576xf32>,
    return
  }
  func.func @transform_0(%arg0: i32) -> (i32, i32, i32, i32) {
    %c0_i32 = arith.constant 0 : i32
    %c0_i32_0 = arith.constant 0 : i32
    %c0_i32_1 = arith.constant 0 : i32
    %c0_i32_2 = arith.constant 0 : i32
    return %arg0, %c0_i32, %c0_i32_0, %c0_i32_1 : i32, i32, i32, i32
  }
  func.func @transform_1(%arg0: i32) -> (i32, i32) {
    %c0_i32 = arith.constant 0 : i32
    %c0_i32_0 = arith.constant 0 : i32
    %c0_i32_1 = arith.constant 0 : i32
    return %c0_i32, %c0_i32_0 : i32, i32
  }
  func.func @transform_2(%arg0: i32) -> (i32, i32, i32) {
    %c0_i32 = arith.constant 0 : i32
    %c0_i32_0 = arith.constant 0 : i32
    %c0_i32_1 = arith.constant 0 : i32
    %c0_i32_2 = arith.constant 0 : i32
    return %c0_i32, %c0_i32_0, %c0_i32_1 : i32, i32, i32
  }
  func.func @transform_3(%arg0: i32) -> (i32, i32, i32) {
    %c0_i32 = arith.constant 0 : i32
    %c0_i32_0 = arith.constant 0 : i32
    %c0_i32_1 = arith.constant 0 : i32
    %c0_i32_2 = arith.constant 0 : i32
    return %c0_i32, %c0_i32_0, %c0_i32_1 : i32, i32, i32
  }
  func.func @transform_4(%arg0: i32) -> (i32, i32, i32) {
    %c0_i32 = arith.constant 0 : i32
    %c0_i32_0 = arith.constant 0 : i32
    %c0_i32_1 = arith.constant 0 : i32
    %c0_i32_2 = arith.constant 0 : i32
    return %c0_i32, %c0_i32_0, %c0_i32_1 : i32, i32, i32
  }
  func.func @transform_5(%arg0: i32) -> (i32, i32, i32) {
    %c0_i32 = arith.constant 0 : i32
    %c0_i32_0 = arith.constant 0 : i32
    %c0_i32_1 = arith.constant 0 : i32
    %c0_i32_2 = arith.constant 0 : i32
    return %c0_i32, %c0_i32_0, %c0_i32_1 : i32, i32, i32
  }
  func.func @transform_6(%arg0: i32) -> (i32, i32, i32) {
    %c0_i32 = arith.constant 0 : i32
    %c0_i32_0 = arith.constant 0 : i32
    %c0_i32_1 = arith.constant 0 : i32
    return %arg0, %c0_i32, %c0_i32_0 : i32, i32, i32
  }
  func.func @transform_7(%arg0: i32) -> (i32, i32, i32) {
    %c0_i32 = arith.constant 0 : i32
    %c0_i32_0 = arith.constant 0 : i32
    %c0_i32_1 = arith.constant 0 : i32
    return %arg0, %c0_i32, %c0_i32_0 : i32, i32, i32
  }
}

module attributes {stable_mosaic.version = 14 : i64} {
  func.func @_trim_body(%arg0: i32, %arg1: memref<1x512x640xf32, #tpu.memory_space<vmem>>, %arg2: memref<1x512x576xf32, #tpu.memory_space<vmem>>) attributes {dimension_semantics = [#tpu.dimension_semantics<arbitrary>], iteration_bounds = array<i64: 8>, scalar_prefetch = 0 : i64, scratch_operands = 0 : i64, tpu.core_type = #tpu.core_type<tc>, window_params = [{transform_indices = @transform_0, window_bounds = array<i64: 1, 512, 640>}, {transform_indices = @transform_1, window_bounds = array<i64: 1, 512, 576>}]} {
    %get3A = arith.constant 0 : index
    %get3A_0 = arith.constant 0 : index
    %get3A_1 = arith.constant 0 : index
    %get3A_2 = vector.load %arg1[%get3A, %get3A_0, %get3A_1] : memref<1x512x640xf32, #tpu.memory_space<vmem>>, vector<1x512x576xf32>
    %get3A_3 = vector.shape_cast %get3A_2 : vector<1x512x576xf32> to vector<512x576xf32>
    %swap3A = arith.constant 0 : index
    %swap3A_4 = arith.constant 0 : index
    %swap3A_5 = arith.constant 0 : index
    %swap3A_6 = vector.load %arg2[%swap3A, %swap3A_4, %swap3A_5] : memref<1x512x576xf32, #tpu.memory_space<vmem>>, vector<1x512x576xf32>
    %swap3A_7 = vector.shape_cast %swap3A_6 : vector<1x512x576xf32> to vector<512x576xf32>
    %swap3A_8 = vector.shape_cast %get3A_3 : vector<512x576xf32> to vector<1x512x576xf32>
    tpu.vector_store %arg2[%swap3A, %swap3A_4, %swap3A_5], %swap3A_8 {strides = array<i32>} : memref<1x512x576xf32, #tpu.memory_space<vmem>>, vector<1x512x576xf32>,
    return
  }
  func.func @transform_0(%arg0: i32) -> (i32, i32, i32) {
    %c0_i32 = arith.constant 0 : i32
    %c0_i32_0 = arith.constant 0 : i32
    %c0_i32_1 = arith.constant 0 : i32
    return %arg0, %c0_i32, %c0_i32_0 : i32, i32, i32
  }
  func.func @transform_1(%arg0: i32) -> (i32, i32, i32) {
    %c0_i32 = arith.constant 0 : i32
    %c0_i32_0 = arith.constant 0 : i32
    %c0_i32_1 = arith.constant 0 : i32
    return %arg0, %c0_i32, %c0_i32_0 : i32, i32, i32
  }
}

</mosaic_0001>

<sc_bundles>
// kernel: kernel.5.cloned.1.call-start
scs
__scs_entry_jumppad:
0x0: {  	(pc) =	sbr.rel $0x88, $3  }
0x1: {  	(tag) =	ssettag $0x0;
	lr =	simm.s32 $0x1  }
0x2: {  	[smem:$0x3F99] =	sst lr;
	_ =	strace $0xD0000000  }
0x3: {  	_ = 	snop  }
0x4: {  	_ = 	snop  }
0x5: {  	_ = 	snop  }
0x6: {  	_ = 	snop  }
0x7: {  	_ = 	snop  }
__scs_overlays_trampoline_lowered:
0x8: {  	[smem:$0x3FA8] =	sst s0  }
0x9: {  	[smem:$0x3FA9] =	sst s1  }
0xa: {  	[smem:$0x3FAA] =	sst s2  }
0xb: {  	[smem:$0x3FAB] =	sst s3  }
0xc: {  	[smem:$0x3FAC] =	sst s4  }
0xd: {  	[smem:$0x3FAD] =	sst s5  }
0xe: {  	[smem:$0x3FAE] =	sst s6  }
0xf: {  	[smem:$0x3FAF] =	sst s7  }
0x10: {  	[smem:$0x3FB0] =	sst s8  }
0x11: {  	[smem:$0x3FB1] =	sst s9;
	s0 =	simm.s32 @!p0 $0x0  }
0x12: {  	s1 =	sld [smem:$0x3F97];
	s0 =	simm.s32 @p0 $0x1  }
0x13: {  	[smem:$0x3FB2] =	sst s0;
	s0 =	simm.s32 @!p1 $0x0  }
0x14: {  	s2 =	sld [smem:$0x3F96];
	s0 =	simm.s32 @p1 $0x1  }
0x15: {  	[smem:$0x3FB3] =	sst s0;
	s0 =	simm.s32 @!p2 $0x0  }
0x16: {  	s3 =	sld [smem:$0x3FDB];
	s0 =	simm.s32 @p2 $0x1  }
0x17: {  	s4 =	simm.s32 $0x1BF5;
	[smem:$0x3FB5] =	sst s0  }
0x18: {  	s0 =	sld [smem:$0x3F98];
	_ =	swait.ge [sflag:s4], $0x0  }
0x19: {  	s7 =	sld [smem:$0x3F99]  }
0x1a: {  	s8 =	sadd.s32 $0xFFFFE003, lr  }
0x1b: {  	s9 =	sadd.s32 $0xFFFFFEF7, lr;
	s5 =	simm.s32 $0xFFFFFFFF;
	p2 =	slt.u32 s8, $0xFFFFF086  }
0x1c: {  	p1 =	slt.u32 s9, $0xF7A;
	s5 =	simm.s32 @!p2 $0x0  }
0x1d: {  	s5 =	simm.s32 @p1 $0x1;
	p0 =	seq.s32 s7, s2  }
0x1e: {  	s7 =	smul.u32 @!p0 $0xF7A, s2;
	p2 =	seq.s32 @!p0 s5, $0x0  }
0x1f: {  	s9 =	smul.u32 $0xF7A, s1;
	s8 =	simm.s32 @!p0 $0x1BF5;
	p2 =	por !p2, p0  }
0x20: {  	[sflag:s8] =	ssyncset.s32 @!p0 $0xFFFFF086;
	s6 =	sadd.s32 @!p0 s3, s7;
	s7 =	simm.s32 @!p0 $0x108  }
0x21: {  	s3 =	sadd.s32 s3, s9;
	s6 =	sadd.s32 @!p0 $0x88, s6;
	s7 =	simm.s32 @p2 $0x1082  }
0x22: {  	[simem:s7], [sflag:s8] =	dma.local @!p0 [hbm:s6], $0xF7A  }
0x23: {  	s9 =	sor.u32 $0xD0000000, s2;
	s6 =	simm.s32 $0x108;
	_ =	swait.ge @!p0 [sflag:s8], $0x0  }
0x24: {  	s3 =	sadd.s32 $0x88, s3;
	s6 =	simm.s32 @!p1 $0x1082;
	[sflag:s4] =	ssyncset.s32 $0xFFFFF086  }
0x25: {  	[simem:s6], [sflag:s4] =	dma.local [hbm:s3], $0xF7A  }
0x26: {  	[smem:$0x3F99] =	sst s1;
	(tag) =	ssettag s2;
	_ =	strace s9  }
0x27: {  	s1 =	sld [smem:$0x3FA9]  }
0x28: {  	s2 =	sld [smem:$0x3FAA]  }
0x29: {  	s4 =	sld [smem:$0x3FAC]  }
0x2a: {  	p0 =	seq.s32 s5, $0x0;
	s5 =	sld [smem:$0x3FAD]  }
0x2b: {  	s6 =	sld [smem:$0x3FAE]  }
0x2c: {  	s7 =	sld [smem:$0x3FAF]  }
0x2d: {  	s3 =	simm.s32 $0x108;
	s8 =	sld [smem:$0x3FB0]  }
0x2e: {  	s3 =	simm.s32 @!p0 $0x1082;
	s9 =	sld [smem:$0x3FB1]  }
0x2f: {  	lr =	sadd.s32 s0, s3;
	s0 =	sld [smem:$0x3FA8]  }
0x30: {  	s3 =	sld [smem:$0x3FAB]  }
0x31: {  	[smem:$0x3FB4] =	sst s10  }
0x32: {  	s10 =	sld [smem:$0x3FB2];
	_ =	sdelay $0x3  }
0x33: {  	p0 =	seq.s32 s10, $0x1;
	s10 =	sld [smem:$0x3FB4];
	_ =	sdelay $0x3  }
0x34: {  	[smem:$0x3FB4] =	sst s10  }
0x35: {  	s10 =	sld [smem:$0x3FB3];
	_ =	sdelay $0x3  }
0x36: {  	p1 =	seq.s32 s10, $0x1;
	s10 =	sld [smem:$0x3FB4];
	_ =	sdelay $0x3  }
0x37: {  	[smem:$0x3FB4] =	sst s10  }
0x38: {  	s10 =	sld [smem:$0x3FB5]  }
0x39: {  	_ = 	snop;
	(pc) =	sbr.ind lr, $3  }
0x3a: {  	_ = 	snop  }
0x3b: {  	_ = 	snop  }
0x3c: {  	p2 =	seq.s32 s10, $0x1;
	s10 =	sld [smem:$0x3FB4]  }
0x3d: {  	_ =	shalt  }
0x3e: {  	_ =	shalt  }
0x3f: {  	_ =	shalt  }
0x40: {  	_ =	shalt  }
0x41: {  	_ =	shalt  }
0x42: {  	_ =	shalt  }
0x43: {  	_ =	shalt  }
0x44: {  	_ =	shalt  }
0x45: {  	_ =	shalt  }
0x46: {  	_ =	shalt  }
0x47: {  	_ =	shalt  }
0x48: {  	_ =	shalt  }
0x49: {  	_ =	shalt  }
0x4a: {  	_ =	shalt  }
0x4b: {  	_ =	shalt  }
0x4c: {  	_ =	shalt  }
0x4d: {  	_ =	shalt  }
0x4e: {  	_ =	shalt  }
0x4f: {  	_ =	shalt  }
0x50: {  	_ =	shalt  }
0x51: {  	_ =	shalt  }
0x52: {  	_ =	shalt  }
0x53: {  	_ =	shalt  }
0x54: {  	_ =	shalt  }
0x55: {  	_ =	shalt  }
0x56: {  	_ =	shalt  }
0x57: {  	_ =	shalt  }
0x58: {  	_ =	shalt  }
0x59: {  	_ =	shalt  }
0x5a: {  	_ =	shalt  }
0x5b: {  	_ =	shalt  }
0x5c: {  	_ =	shalt  }
0x5d: {  	_ =	shalt  }
0x5e: {  	_ =	shalt  }
0x5f: {  	_ =	shalt  }
0x60: {  	_ =	shalt  }
0x61: {  	_ =	shalt  }
0x62: {  	_ =	shalt  }
0x63: {  	_ =	shalt  }
0x64: {  	_ =	shalt  }
0x65: {  	_ =	shalt  }
0x66: {  	_ =	shalt  }
0x67: {  	_ =	shalt  }
0x68: {  	_ =	shalt  }
0x69: {  	_ =	shalt  }
0x6a: {  	_ =	shalt  }
0x6b: {  	_ =	shalt  }
0x6c: {  	_ =	shalt  }
0x6d: {  	_ =	shalt  }
0x6e: {  	_ =	shalt  }
0x6f: {  	_ =	shalt  }
0x70: {  	_ =	shalt  }
0x71: {  	_ =	shalt  }
0x72: {  	_ =	shalt  }
0x73: {  	_ =	shalt  }
0x74: {  	_ =	shalt  }
0x75: {  	_ =	shalt  }
0x76: {  	_ =	shalt  }
0x77: {  	_ =	shalt  }
0x78: {  	_ =	shalt  }
0x79: {  	_ =	shalt  }
0x7a: {  	_ =	shalt  }
0x7b: {  	_ =	shalt  }
0x7c: {  	_ =	shalt  }
0x7d: {  	_ =	shalt  }
0x7e: {  	_ =	shalt  }
0x7f: {  	_ =	shalt  }
0x80: {  	_ =	shalt  }
0x81: {  	_ =	shalt  }
0x82: {  	_ =	shalt  }
0x83: {  	_ =	shalt  }
0x84: {  	_ =	shalt  }
0x85: {  	_ =	shalt  }
0x86: {  	_ =	shalt  }
0x87: {  	_ =	shalt  }
.Lfunc_end0:
.L_simem_size_0:
called_computation_lowered:
.L_overlay_start_0:
0x88: {  	s2 =	sld [smem:$0x3FD9]  }
0x89: {  	s3 =	sld [smem:$0x3FFE];
	_ =	sdelay $0x1  }
0x8a: {  	s1 =	srdreg.scid  }
0x8b: {  	s0 =	sand.u32 $0x1, s1  }
0x8c: {  	s14 =	sshll.u32 s0, $0xA;
	s2 =	sadd.s32 s3, s2  }
0x8d: {  	s2 =	sadd.s32 s2, s14  }
0x8e: {  	[smem:$0x3FC0] =	sst s2  }
0x8f: {  	_ = 	snop  }
0x90: {  	s2 =	sld [smem:$0x3FD0];
	_ =	sdelay $0x1  }
0x91: {  	s15 =	sld [smem:$0x3FC3]  }
0x92: {  	s5 =	simm.s32 $0xA;
	s6 =	simm.s32 $0x10;
	s4 =	sld [smem:$0x3FC2]  }
0x93: {  	[smem:s6], [sflag:s5] =	dma.local [hbm:s2], $0x1  }
0x94: {  	_ =	swait.eq [sflag:s5], $0x1  }
0x95: {  	[sflag:s5] =	ssyncset.done $0x0  }
0x96: {  	[sflag:s5] =	ssyncadd.s32 $0xFFFFFFFF  }
0x97: {  	s16 =	sld [smem:$0x10];
	(tm) =	ssettm $0x1  }
0x98: {  	s17 =	sld [smem:$0x3FFB];
	_ =	sdelay $0x3  }
0x99: {  	_ =	strace s17  }
0x9a: {  	s5 =	sld [smem:$0x3FFC];
	_ =	sdelay $0x3  }
0x9b: {  	_ =	strace s5  }
0x9c: {  	s5 =	sld [smem:$0x3FFD];
	_ =	sdelay $0x3  }
0x9d: {  	_ =	strace s5  }
0x9e: {  	_ =	strace $0x8FFFFFFF  }
0x9f: {  	s18 =	sld [smem:$0x3FDB];
	_ =	sdelay $0x1  }
0xa0: {  	s19 =	simm.s32 $_scs_section_size  }
0xa1: {  	s7 =	simm.s32 $_size__tile_overlayer_lowered;
	s8 =	simm.s32 $_tile_overlayer_lowered  }
0xa2: {  	s22 =	simm.s32 $0x1BFF;
	s21 =	sshll.u32 s8, $0x1;
	s5 =	sadd.s32 s19, s18  }
0xa3: {  	s9 =	simm.s32 $0x0;
	s20 =	sshll.u32 s7, $0x1;
	s7 =	sadd.s32 s21, s5  }
0xa4: {  	[timem:s9], [sflag:s22] =	dma.local [hbm:s7], s20  }
0xa5: {  	_ =	swait.ge [sflag:s22], s20  }
0xa6: {  	s6 =	ssub.s32 $0x0, s20;
	[sflag:s22] =	ssyncset.done $0x0  }
0xa7: {  	[sflag:s22] =	ssyncadd.s32 s6;
	_ =	sdelay $0x1  }
0xa8: {  	s23 =	simm.s32 $0x1B8B  }
0xa9: {  	_ =	swait.ge [sflag:s23], $0x1  }
0xaa: {  	[sflag:s23] =	ssyncset.done $0x0  }
0xab: {  	s25 =	simm.s32 $0x1B8E;
	s24 =	sld [smem:$0x3FFE];
	[sflag:s23] =	ssyncadd.s32 $0xFFFFFFFF  }
0xac: {  	s26 =	simm.s32 $execute0_lowered;
	[smem:$0x3FD2] =	sst s25  }
0xad: {  	s7 =	sshll.u32 s26, $0x1;
	_ =	strace $0x80000046;
	[dreg:$0x1] =	wrdreg $0xFFFFFFFF  }
0xae: {  	s28 =	simm.s32 $_size_execute0_lowered;
	s5 =	sadd.s32 s5, s7;
	[dreg:$0x0] =	wrdreg $0x0  }
0xaf: {  	s7 =	sshll.u32 s28, $0x1;
	[dreg:$0x2] =	wrdreg s5  }
0xb0: {  	[dreg:$0x3] =	wrdreg s7  }
0xb1: {  	[dreg:$0x4] =	wrdreg $0xC0  }
0xb2: {  	_ =	task [dreg:s9], $0x5FFFF  }
0xb3: {  	[dreg:$0x1] =	wrdreg $0xFFFFFFFF  }
0xb4: {  	[dreg:$0x0] =	wrdreg $0x60  }
0xb5: {  	[dreg:$0x2] =	wrdreg s24  }
0xb6: {  	[dreg:$0x3] =	wrdreg s15  }
0xb7: {  	[dreg:$0x4] =	wrdreg s4  }
0xb8: {  	[dreg:$0x5] =	wrdreg s16  }
0xb9: {  	[dreg:$0x6] =	wrdreg $0x9  }
0xba: {  	_ =	task.clear_ibuf [dreg:s9], $0x7FFFF;
	_ =	strace $0x90000046  }
0xbb: {  	s29 =	simm.s32 $0x9;
	_ =	strace $0x80000048  }
0xbc: {  	_ =	swait.ge [sflag:s29], $0x1  }
0xbd: {  	[sflag:s29] =	ssyncadd.s32 $0xFFFFFFFF  }
0xbe: {  	_ =	strace $0x90000048  }
0xbf: {  	_ =	sfence  }
0xc0: {  	s30 =	sld [smem:$0x0];
	_ =	sdelay $0x2  }
0xc1: {  	s31 =	sshll.u32 s1, $0xD;
	s1 =	sshrl.u32 s1, $0x2  }
0xc2: {  	s3 =	sand.u32 $0x4000, s31;
	s1 =	sadd.s32 s1, s30  }
0xc3: {  	s0 =	sor.u32 s3, s0;
	s1 =	sshll.u32 s1, $0x11  }
0xc4: {  	s0 =	sor.u32 s1, s0  }
0xc5: {  	s0 =	sadd.s32 $0x8F2B, s0  }
0xc6: {  	[sflag:s0] =	ssyncadd.remote.s32 $0x1  }
0xc7: {  	_ =	sfence.sel $0xFFFF  }
0xc8: {  	[dreg:$0x0] =	wrdreg $0xFFFFFFFF;
	(pc) =	sbr.abs _section_cstart, $3  }
0xc9: {  	[dreg:$0x1] =	wrdreg $0xFFFFFFFF  }
0xca: {  	_ =	task.clear_ibuf [dreg:s9], $0x2FFFF;
	_ =	strace $0x9FFFFFFF  }
0xcb: {  	(tm) =	ssettm $0x7FFFFFFF  }
tec
execute0_lowered:
.L_overlay_start_1:
0x0: {  	(tag) =	ssettag $0x1  }
0x1: {  	s0 =	rddreg [dreg:$0x0]  }
0x2: {  	s1 =	rddreg [dreg:$0x1]  }
0x3: {  	s15 =	rddreg [dreg:$0x2]  }
0x4: {  	s16 =	srdreg.scid;
	s12 =	rddreg [dreg:$0x3]  }
0x5: {  	s6 =	stileid.u32;
	[dreg:$0x5] =	wrdreg s1  }
0x6: {  	s2 =	simm.s32 $0x0;
	s31 =	simm.s32 $0x100;
	[dreg:$0x6] =	wrdreg s15  }
0x7: {  	s1 =	sand.u32 $0x1, s16;
	s3 =	sshll.u32 s6, $0x1;
	[smem:$0x7FF] =	sst s2  }
0x8: {  	s17 =	sadd.s32 $0x2800, s0;
	s4 =	sadd.s32 $0xDA800, s0;
	s14 =	sshrl.u32 s6, $0x1  }
0x9: {  	s6 =	sadd.s32 $0x2A00, s0;
	s7 =	sadd.s32 $0x2B00, s0;
	s8 =	sadd.s32 $0x2C00, s0  }
0xa: {  	s13 =	sor.u32 s1, s3;
	_ =	strace $0x80000047;
	s20 =	smul.u32 $0x180, s14  }
0xb: {  	[dreg:$0x13] =	wrdreg s17;
	s1 =	ssub.s32 $0x2, s1;
	s28 =	smul.u32 $0x300, s14  }
0xc: {  	s14 =	sadd.s32 $0xDA900, s0;
	[dreg:$0x11] =	wrdreg s31;
	s5 =	smul.u32 $0x2800, s13  }
0xd: {  	s11 =	sshll.u32 s13, $0x6;
	s18 =	sshrl.u32 s1, $0x1;
	s9 =	smul.u32 $0x4800, s13  }
0xe: {  	s13 =	sshll.u32 s13, $0x7;
	s19 =	sand.u32 $0xC0, s11;
	s1 =	ssub.s32 s1, s18  }
0xf: {  	s15 =	sor.u32 $0x10, s11;
	s18 =	sor.u32 $0x20, s11;
	s13 =	sand.u32 $0x180, s13  }
0x10: {  	s16 =	sadd.s32 s5, s0;
	[dreg:$0x7] =	wrdreg s19;
	s5 =	sadd.s32 $0x2900, s0  }
0x11: {  	s10 =	sadd.s32 s12, s9;
	s9 =	sadd.s32 $0x2D00, s0;
	s21 =	sshrl.u32 s15, $0x3  }
0x12: {  	s15 =	sand.u32 $0xD0, s15;
	s22 =	sshrl.u32 s18, $0x3;
	s19 =	sor.u32 $0x30, s11  }
0x13: {  	s23 =	sand.u32 $0xE0, s18;
	s11 =	sadd.s32 $0x2F00, s0;
	[dreg:$0x8] =	wrdreg s10  }
0x14: {  	s1 =	smax.u32 s1, $0x1;
	s17 =	smul.u32 $0x900, s21;
	[dreg:$0x9] =	wrdreg s15  }
0x15: {  	s10 =	sadd.s32 $0x2E00, s0;
	[dreg:$0xb] =	wrdreg s23;
	s25 =	sand.u32 $0xF0, s19  }
0x16: {  	s15 =	smul.u32 $0x900, s22;
	s29 =	sadd.s32 $0x152800, s16;
	[dreg:$0xd] =	wrdreg s25  }
0x17: {  	s24 =	sshrl.u32 s19, $0x3;
	[dreg:$0xf] =	wrdreg s29;
	s17 =	sadd.s32 s12, s17  }
0x18: {  	s30 =	sadd.s32 $0x153C00, s16;
	[dreg:$0xa] =	wrdreg s17;
	s17 =	smul.u32 $0x900, s24  }
0x19: {  	v4 =	vlaneseq.u32;
	vm0 =	vmmov $0xffff;
	vm1 =	vmmov $0xff;
	s22 =	simm.s32 $0x1;
	[dreg:$0x10] =	wrdreg s30;
	s15 =	sadd.s32 s12, s15  }
0x1a: {  	v3 =	vshrl.u32 v4, $0x3;
	v2 =	vand.u32 $0x7, v4;
	v4 =	vor.u32 $0x8, v4;
	[dreg:$0xc] =	wrdreg s15;
	s15 =	sadd.s32 $0xDAA00, s0;
	s26 =	sadd.s32 s12, s17  }
0x1b: {  	v3 =	vmul.u32 $0x8, v3;
	v0 =	vmov s20;
	v1 =	vmov s28;
	s12 =	sadd.s32 $0x3000, s0;
	s17 =	simm.s32 $0x2;
	[dreg:$0xe] =	wrdreg s26  }
.LBB2_1:
0x1c: {  	[dreg:$0x12] =	wrdreg s1  }
0x1d: {  	s24 =	rddreg [dreg:$0x5]  }
0x1e: {  	[tilespmem:s2], [sflag:$0x2] =	stream.linear.gather [hbm4b:s24+s2], $0x100, $0x38;
	[tilespmem:$0x13400] =	vst v63  }
0x1f: {  	_ =	swait.ge [sflag:s17], $0x100  }
0x20: {  	s26 =	rddreg [dreg:$0x6];
	[sflag:s17] =	ssyncset.done $0x0  }
0x21: {  	s25 =	rddreg [dreg:$0x11];
	[sflag:s17] =	ssyncadd.s32 $0xFFFFFF00  }
0x22: {  	[tilespmem:s25], [sflag:$0x2] =	stream.linear.gather [hbm4b:s26+s2], $0x200, $0x38;
	[tilespmem:$0x13400] =	vst v63  }
0x23: {  	_ =	swait.ge [sflag:s17], $0x200  }
0x24: {  	[sflag:s17] =	ssyncset.done $0x0  }
0x25: {  	s28 =	rddreg [dreg:$0x7];
	[sflag:s17] =	ssyncadd.s32 $0xFFFFFE00  }
0x26: {  	v5 =	vld [tilespmem:s28+$0x0];
	_ =	sdelay $0x4  }
0x27: {  	v6 =	vadd.s32 v0, v5  }
0x28: {  	v7 =	vshrl.u32 v6, $0x3  }
0x29: {  	v7 =	vmul.u32 $0x90, v7  }
0x2a: {  	v5 =	vand.u32 $0x7, v5  }
0x2b: {  	v5 =	vor.u32 v5, v7  }
0x2c: {  	v7 =	vperm.xlane v5, v2;
	_ =	sdelay $0x1  }
0x2d: {  	v7 =	vadd.s32 v3, v7;
	_ =	sdelay $0x3  }
0x2e: {  	s16 =	simm.s32 $0x400;
	s0 =	rddreg [dreg:$0x13];
	[tilespmem:$0x300] =	vst v6  }
0x2f: {  	[tilespmem:s16], [sflag:$0x1] =	stream.indirect_vreg.gather [hbm4b:s0+s2], $0x80, v7, vm0, $0xb8;
	[tilespmem:$0x13400] =	vst v63  }
0x30: {  	s25 =	simm.s32 $0xC00  }
0x31: {  	[tilespmem:s25], [sflag:$0x1] =	stream.indirect_vreg.gather [hbm4b:s5+s2], $0x80, v7, vm0, $0xb8;
	[tilespmem:$0x13400] =	vst v63  }
0x32: {  	s26 =	simm.s32 $0x1400  }
0x33: {  	[tilespmem:s26], [sflag:$0x1] =	stream.indirect_vreg.gather [hbm4b:s6+s2], $0x80, v7, vm0, $0xb8;
	[tilespmem:$0x13400] =	vst v63  }
0x34: {  	s28 =	simm.s32 $0x1C00  }
0x35: {  	[tilespmem:s28], [sflag:$0x1] =	stream.indirect_vreg.gather [hbm4b:s7+s2], $0x80, v7, vm0, $0xb8;
	[tilespmem:$0x13400] =	vst v63  }
0x36: {  	s29 =	simm.s32 $0x2400  }
0x37: {  	[tilespmem:s29], [sflag:$0x1] =	stream.indirect_vreg.gather [hbm4b:s8+s2], $0x80, v7, vm0, $0xb8;
	[tilespmem:$0x13400] =	vst v63  }
0x38: {  	s30 =	simm.s32 $0x2C00  }
0x39: {  	[tilespmem:s30], [sflag:$0x1] =	stream.indirect_vreg.gather [hbm4b:s9+s2], $0x80, v7, vm0, $0xb8;
	[tilespmem:$0x13400] =	vst v63  }
0x3a: {  	s31 =	simm.s32 $0x3400;
	v5 =	vperm.xlane v5, v4  }
0x3b: {  	[tilespmem:s31], [sflag:$0x1] =	stream.indirect_vreg.gather [hbm4b:s10+s2], $0x80, v7, vm0, $0xb8;
	[tilespmem:$0x13400] =	vst v63  }
0x3c: {  	s1 =	simm.s32 $0x3C00;
	v5 =	vadd.s32 v3, v5  }
0x3d: {  	[tilespmem:s1], [sflag:$0x1] =	stream.indirect_vreg.gather [hbm4b:s11+s2], $0x80, v7, vm0, $0xb8;
	[tilespmem:$0x13400] =	vst v63  }
0x3e: {  	s3 =	simm.s32 $0x4400  }
0x3f: {  	[tilespmem:s3], [sflag:$0x1] =	stream.indirect_vreg.gather [hbm4b:s12+s2], $0x80, v7, vm0, $0xb8;
	[tilespmem:$0x13400] =	vst v63  }
0x40: {  	s19 =	simm.s32 $0x4C00  }
0x41: {  	[tilespmem:s19], [sflag:$0x1] =	stream.indirect_vreg.gather [hbm4b:s0+s2], $0x80, v5, vm0, $0xb8;
	[tilespmem:$0x13400] =	vst v63  }
0x42: {  	s20 =	simm.s32 $0x5400  }
0x43: {  	[tilespmem:s20], [sflag:$0x1] =	stream.indirect_vreg.gather [hbm4b:s5+s2], $0x80, v5, vm0, $0xb8;
	[tilespmem:$0x13400] =	vst v63  }
0x44: {  	s21 =	simm.s32 $0x5C00  }
0x45: {  	[tilespmem:s21], [sflag:$0x1] =	stream.indirect_vreg.gather [hbm4b:s6+s2], $0x80, v5, vm0, $0xb8;
	[tilespmem:$0x13400] =	vst v63  }
0x46: {  	s23 =	simm.s32 $0x6400  }
0x47: {  	[tilespmem:s23], [sflag:$0x1] =	stream.indirect_vreg.gather [hbm4b:s7+s2], $0x80, v5, vm0, $0xb8;
	[tilespmem:$0x13400] =	vst v63  }
0x48: {  	s18 =	simm.s32 $0x6C00  }
0x49: {  	[tilespmem:s18], [sflag:$0x1] =	stream.indirect_vreg.gather [hbm4b:s8+s2], $0x80, v5, vm0, $0xb8;
	[tilespmem:$0x13400] =	vst v63  }
0x4a: {  	s3 =	simm.s32 $0x7400  }
0x4b: {  	[tilespmem:s3], [sflag:$0x1] =	stream.indirect_vreg.gather [hbm4b:s9+s2], $0x80, v5, vm0, $0xb8;
	[tilespmem:$0x13400] =	vst v63  }
0x4c: {  	s24 =	simm.s32 $0x7C00  }
0x4d: {  	[tilespmem:s24], [sflag:$0x1] =	stream.indirect_vreg.gather [hbm4b:s10+s2], $0x80, v5, vm0, $0xb8;
	[tilespmem:$0x13400] =	vst v63  }
0x4e: {  	s24 =	simm.s32 $0x8400  }
0x4f: {  	[tilespmem:s24], [sflag:$0x1] =	stream.indirect_vreg.gather [hbm4b:s11+s2], $0x80, v5, vm0, $0xb8;
	[tilespmem:$0x13400] =	vst v63  }
0x50: {  	s24 =	simm.s32 $0x8C00  }
0x51: {  	[tilespmem:s24], [sflag:$0x1] =	stream.indirect_vreg.gather [hbm4b:s12+s2], $0x80, v5, vm0, $0xb8;
	[tilespmem:$0x13400] =	vst v63  }
0x52: {  	_ =	swait.ge [sflag:s22], $0x9000  }
0x53: {  	[sflag:s22] =	ssyncset.done $0x0  }
0x54: {  	s24 =	rddreg [dreg:$0x8];
	[sflag:s22] =	ssyncadd.s32 $0xFFFF7000  }
0x55: {  	[hbm4b:s24+s2] =	stream.linear.scatter [tilespmem:s16], [sflag:$0x2], $0x9000, $0x38;
	[tilespmem:$0x13400] =	vst v63  }
0x56: {  	_ =	swait.ge [sflag:s17], $0x9000  }
0x57: {  	[sflag:s17] =	ssyncset.done $0x0  }
0x58: {  	s24 =	rddreg [dreg:$0x9];
	[sflag:s17] =	ssyncadd.s32 $0xFFFF7000  }
0x59: {  	v5 =	vld [tilespmem:s24+$0x0];
	_ =	sdelay $0x4  }
0x5a: {  	v6 =	vadd.s32 v0, v5  }
0x5b: {  	v7 =	vshrl.u32 v6, $0x3  }
0x5c: {  	v7 =	vmul.u32 $0x90, v7  }
0x5d: {  	v5 =	vand.u32 $0x7, v5  }
0x5e: {  	v5 =	vor.u32 v5, v7  }
0x5f: {  	v7 =	vperm.xlane v5, v2;
	_ =	sdelay $0x1  }
0x60: {  	v7 =	vadd.s32 v3, v7;
	_ =	sdelay $0x3  }
0x61: {  	[tilespmem:$0x300] =	vst v6  }
0x62: {  	[tilespmem:s16], [sflag:$0x1] =	stream.indirect_vreg.gather [hbm4b:s0+s2], $0x80, v7, vm0, $0xb8;
	[tilespmem:$0x13400] =	vst v63  }
0x63: {  	_ = 	snop  }
0x64: {  	[tilespmem:s25], [sflag:$0x1] =	stream.indirect_vreg.gather [hbm4b:s5+s2], $0x80, v7, vm0, $0xb8;
	[tilespmem:$0x13400] =	vst v63  }
0x65: {  	_ = 	snop  }
0x66: {  	[tilespmem:s26], [sflag:$0x1] =	stream.indirect_vreg.gather [hbm4b:s6+s2], $0x80, v7, vm0, $0xb8;
	[tilespmem:$0x13400] =	vst v63  }
0x67: {  	_ = 	snop  }
0x68: {  	[tilespmem:s28], [sflag:$0x1] =	stream.indirect_vreg.gather [hbm4b:s7+s2], $0x80, v7, vm0, $0xb8;
	[tilespmem:$0x13400] =	vst v63  }
0x69: {  	_ = 	snop  }
0x6a: {  	[tilespmem:s29], [sflag:$0x1] =	stream.indirect_vreg.gather [hbm4b:s8+s2], $0x80, v7, vm0, $0xb8;
	[tilespmem:$0x13400] =	vst v63  }
0x6b: {  	_ = 	snop  }
0x6c: {  	[tilespmem:s30], [sflag:$0x1] =	stream.indirect_vreg.gather [hbm4b:s9+s2], $0x80, v7, vm0, $0xb8;
	[tilespmem:$0x13400] =	vst v63  }
0x6d: {  	v5 =	vperm.xlane v5, v4  }
0x6e: {  	[tilespmem:s31], [sflag:$0x1] =	stream.indirect_vreg.gather [hbm4b:s10+s2], $0x80, v7, vm0, $0xb8;
	[tilespmem:$0x13400] =	vst v63  }
0x6f: {  	v5 =	vadd.s32 v3, v5  }
0x70: {  	[tilespmem:s1], [sflag:$0x1] =	stream.indirect_vreg.gather [hbm4b:s11+s2], $0x80, v7, vm0, $0xb8;
	[tilespmem:$0x13400] =	vst v63  }
0x71: {  	s24 =	simm.s32 $0x4400  }
0x72: {  	[tilespmem:s24], [sflag:$0x1] =	stream.indirect_vreg.gather [hbm4b:s12+s2], $0x80, v7, vm0, $0xb8;
	[tilespmem:$0x13400] =	vst v63  }
0x73: {  	_ = 	snop  }
0x74: {  	[tilespmem:s19], [sflag:$0x1] =	stream.indirect_vreg.gather [hbm4b:s0+s2], $0x80, v5, vm0, $0xb8;
	[tilespmem:$0x13400] =	vst v63  }
0x75: {  	_ = 	snop  }
0x76: {  	[tilespmem:s20], [sflag:$0x1] =	stream.indirect_vreg.gather [hbm4b:s5+s2], $0x80, v5, vm0, $0xb8;
	[tilespmem:$0x13400] =	vst v63  }
0x77: {  	_ = 	snop  }
0x78: {  	[tilespmem:s21], [sflag:$0x1] =	stream.indirect_vreg.gather [hbm4b:s6+s2], $0x80, v5, vm0, $0xb8;
	[tilespmem:$0x13400] =	vst v63  }
0x79: {  	_ = 	snop  }
0x7a: {  	[tilespmem:s23], [sflag:$0x1] =	stream.indirect_vreg.gather [hbm4b:s7+s2], $0x80, v5, vm0, $0xb8;
	[tilespmem:$0x13400] =	vst v63  }
0x7b: {  	_ = 	snop  }
0x7c: {  	[tilespmem:s18], [sflag:$0x1] =	stream.indirect_vreg.gather [hbm4b:s8+s2], $0x80, v5, vm0, $0xb8;
	[tilespmem:$0x13400] =	vst v63  }
0x7d: {  	_ = 	snop  }
0x7e: {  	[tilespmem:s3], [sflag:$0x1] =	stream.indirect_vreg.gather [hbm4b:s9+s2], $0x80, v5, vm0, $0xb8;
	[tilespmem:$0x13400] =	vst v63  }
0x7f: {  	s24 =	simm.s32 $0x7C00  }
0x80: {  	[tilespmem:s24], [sflag:$0x1] =	stream.indirect_vreg.gather [hbm4b:s10+s2], $0x80, v5, vm0, $0xb8;
	[tilespmem:$0x13400] =	vst v63  }
0x81: {  	s24 =	simm.s32 $0x8400  }
0x82: {  	[tilespmem:s24], [sflag:$0x1] =	stream.indirect_vreg.gather [hbm4b:s11+s2], $0x80, v5, vm0, $0xb8;
	[tilespmem:$0x13400] =	vst v63  }
0x83: {  	s24 =	simm.s32 $0x8C00  }
0x84: {  	[tilespmem:s24], [sflag:$0x1] =	stream.indirect_vreg.gather [hbm4b:s12+s2], $0x80, v5, vm0, $0xb8;
	[tilespmem:$0x13400] =	vst v63  }
0x85: {  	_ =	swait.ge [sflag:s22], $0x9000  }
0x86: {  	[sflag:s22] =	ssyncset.done $0x0  }
0x87: {  	s24 =	rddreg [dreg:$0xa];
	[sflag:s22] =	ssyncadd.s32 $0xFFFF7000  }
0x88: {  	[hbm4b:s24+s2] =	stream.linear.scatter [tilespmem:s16], [sflag:$0x2], $0x9000, $0x38;
	[tilespmem:$0x13400] =	vst v63  }
0x89: {  	_ =	swait.ge [sflag:s17], $0x9000  }
0x8a: {  	[sflag:s17] =	ssyncset.done $0x0  }
0x8b: {  	s24 =	rddreg [dreg:$0xb];
	[sflag:s17] =	ssyncadd.s32 $0xFFFF7000  }
0x8c: {  	v5 =	vld [tilespmem:s24+$0x0];
	_ =	sdelay $0x4  }
0x8d: {  	v6 =	vadd.s32 v0, v5  }
0x8e: {  	v7 =	vshrl.u32 v6, $0x3  }
0x8f: {  	v7 =	vmul.u32 $0x90, v7  }
0x90: {  	v5 =	vand.u32 $0x7, v5  }
0x91: {  	v5 =	vor.u32 v5, v7  }
0x92: {  	v7 =	vperm.xlane v5, v2;
	_ =	sdelay $0x1  }
0x93: {  	v7 =	vadd.s32 v3, v7;
	_ =	sdelay $0x3  }
0x94: {  	[tilespmem:$0x300] =	vst v6  }
0x95: {  	[tilespmem:s16], [sflag:$0x1] =	stream.indirect_vreg.gather [hbm4b:s0+s2], $0x80, v7, vm0, $0xb8;
	[tilespmem:$0x13400] =	vst v63  }
0x96: {  	_ = 	snop  }
0x97: {  	[tilespmem:s25], [sflag:$0x1] =	stream.indirect_vreg.gather [hbm4b:s5+s2], $0x80, v7, vm0, $0xb8;
	[tilespmem:$0x13400] =	vst v63  }
0x98: {  	_ = 	snop  }
0x99: {  	[tilespmem:s26], [sflag:$0x1] =	stream.indirect_vreg.gather [hbm4b:s6+s2], $0x80, v7, vm0, $0xb8;
	[tilespmem:$0x13400] =	vst v63  }
0x9a: {  	_ = 	snop  }
0x9b: {  	[tilespmem:s28], [sflag:$0x1] =	stream.indirect_vreg.gather [hbm4b:s7+s2], $0x80, v7, vm0, $0xb8;
	[tilespmem:$0x13400] =	vst v63  }
0x9c: {  	_ = 	snop  }
0x9d: {  	[tilespmem:s29], [sflag:$0x1] =	stream.indirect_vreg.gather [hbm4b:s8+s2], $0x80, v7, vm0, $0xb8;
	[tilespmem:$0x13400] =	vst v63  }
0x9e: {  	_ = 	snop  }
0x9f: {  	[tilespmem:s30], [sflag:$0x1] =	stream.indirect_vreg.gather [hbm4b:s9+s2], $0x80, v7, vm0, $0xb8;
	[tilespmem:$0x13400] =	vst v63  }
0xa0: {  	v5 =	vperm.xlane v5, v4  }
0xa1: {  	[tilespmem:s31], [sflag:$0x1] =	stream.indirect_vreg.gather [hbm4b:s10+s2], $0x80, v7, vm0, $0xb8;
	[tilespmem:$0x13400] =	vst v63  }
0xa2: {  	v5 =	vadd.s32 v3, v5  }
0xa3: {  	[tilespmem:s1], [sflag:$0x1] =	stream.indirect_vreg.gather [hbm4b:s11+s2], $0x80, v7, vm0, $0xb8;
	[tilespmem:$0x13400] =	vst v63  }
0xa4: {  	s24 =	simm.s32 $0x4400  }
0xa5: {  	[tilespmem:s24], [sflag:$0x1] =	stream.indirect_vreg.gather [hbm4b:s12+s2], $0x80, v7, vm0, $0xb8;
	[tilespmem:$0x13400] =	vst v63  }
0xa6: {  	_ = 	snop  }
0xa7: {  	[tilespmem:s19], [sflag:$0x1] =	stream.indirect_vreg.gather [hbm4b:s0+s2], $0x80, v5, vm0, $0xb8;
	[tilespmem:$0x13400] =	vst v63  }
0xa8: {  	_ = 	snop  }
0xa9: {  	[tilespmem:s20], [sflag:$0x1] =	stream.indirect_vreg.gather [hbm4b:s5+s2], $0x80, v5, vm0, $0xb8;
	[tilespmem:$0x13400] =	vst v63  }
0xaa: {  	_ = 	snop  }
0xab: {  	[tilespmem:s21], [sflag:$0x1] =	stream.indirect_vreg.gather [hbm4b:s6+s2], $0x80, v5, vm0, $0xb8;
	[tilespmem:$0x13400] =	vst v63  }
0xac: {  	_ = 	snop  }
0xad: {  	[tilespmem:s23], [sflag:$0x1] =	stream.indirect_vreg.gather [hbm4b:s7+s2], $0x80, v5, vm0, $0xb8;
	[tilespmem:$0x13400] =	vst v63  }
0xae: {  	_ = 	snop  }
0xaf: {  	[tilespmem:s18], [sflag:$0x1] =	stream.indirect_vreg.gather [hbm4b:s8+s2], $0x80, v5, vm0, $0xb8;
	[tilespmem:$0x13400] =	vst v63  }
0xb0: {  	_ = 	snop  }
0xb1: {  	[tilespmem:s3], [sflag:$0x1] =	stream.indirect_vreg.gather [hbm4b:s9+s2], $0x80, v5, vm0, $0xb8;
	[tilespmem:$0x13400] =	vst v63  }
0xb2: {  	s24 =	simm.s32 $0x7C00  }
0xb3: {  	[tilespmem:s24], [sflag:$0x1] =	stream.indirect_vreg.gather [hbm4b:s10+s2], $0x80, v5, vm0, $0xb8;
	[tilespmem:$0x13400] =	vst v63  }
0xb4: {  	s24 =	simm.s32 $0x8400  }
0xb5: {  	[tilespmem:s24], [sflag:$0x1] =	stream.indirect_vreg.gather [hbm4b:s11+s2], $0x80, v5, vm0, $0xb8;
	[tilespmem:$0x13400] =	vst v63  }
0xb6: {  	s24 =	simm.s32 $0x8C00  }
0xb7: {  	[tilespmem:s24], [sflag:$0x1] =	stream.indirect_vreg.gather [hbm4b:s12+s2], $0x80, v5, vm0, $0xb8;
	[tilespmem:$0x13400] =	vst v63  }
0xb8: {  	_ =	swait.ge [sflag:s22], $0x9000  }
0xb9: {  	[sflag:s22] =	ssyncset.done $0x0  }
0xba: {  	s24 =	rddreg [dreg:$0xc];
	[sflag:s22] =	ssyncadd.s32 $0xFFFF7000  }
0xbb: {  	[hbm4b:s24+s2] =	stream.linear.scatter [tilespmem:s16], [sflag:$0x2], $0x9000, $0x38;
	[tilespmem:$0x13400] =	vst v63  }
0xbc: {  	_ =	swait.ge [sflag:s17], $0x9000  }
0xbd: {  	[sflag:s17] =	ssyncset.done $0x0  }
0xbe: {  	s24 =	rddreg [dreg:$0xd];
	[sflag:s17] =	ssyncadd.s32 $0xFFFF7000  }
0xbf: {  	v5 =	vld [tilespmem:s24+$0x0];
	_ =	sdelay $0x4  }
0xc0: {  	v6 =	vadd.s32 v0, v5  }
0xc1: {  	v7 =	vshrl.u32 v6, $0x3  }
0xc2: {  	v7 =	vmul.u32 $0x90, v7  }
0xc3: {  	v5 =	vand.u32 $0x7, v5  }
0xc4: {  	v5 =	vor.u32 v5, v7  }
0xc5: {  	v7 =	vperm.xlane v5, v2;
	_ =	sdelay $0x1  }
0xc6: {  	v7 =	vadd.s32 v3, v7;
	_ =	sdelay $0x3  }
0xc7: {  	[tilespmem:$0x300] =	vst v6  }
0xc8: {  	[tilespmem:s16], [sflag:$0x1] =	stream.indirect_vreg.gather [hbm4b:s0+s2], $0x80, v7, vm0, $0xb8;
	[tilespmem:$0x13400] =	vst v63  }
0xc9: {  	_ = 	snop  }
0xca: {  	[tilespmem:s25], [sflag:$0x1] =	stream.indirect_vreg.gather [hbm4b:s5+s2], $0x80, v7, vm0, $0xb8;
	[tilespmem:$0x13400] =	vst v63  }
0xcb: {  	_ = 	snop  }
0xcc: {  	[tilespmem:s26], [sflag:$0x1] =	stream.indirect_vreg.gather [hbm4b:s6+s2], $0x80, v7, vm0, $0xb8;
	[tilespmem:$0x13400] =	vst v63  }
0xcd: {  	_ = 	snop  }
0xce: {  	[tilespmem:s28], [sflag:$0x1] =	stream.indirect_vreg.gather [hbm4b:s7+s2], $0x80, v7, vm0, $0xb8;
	[tilespmem:$0x13400] =	vst v63  }
0xcf: {  	_ = 	snop  }
0xd0: {  	[tilespmem:s29], [sflag:$0x1] =	stream.indirect_vreg.gather [hbm4b:s8+s2], $0x80, v7, vm0, $0xb8;
	[tilespmem:$0x13400] =	vst v63  }
0xd1: {  	_ = 	snop  }
0xd2: {  	[tilespmem:s30], [sflag:$0x1] =	stream.indirect_vreg.gather [hbm4b:s9+s2], $0x80, v7, vm0, $0xb8;
	[tilespmem:$0x13400] =	vst v63  }
0xd3: {  	v5 =	vperm.xlane v5, v4  }
0xd4: {  	[tilespmem:s31], [sflag:$0x1] =	stream.indirect_vreg.gather [hbm4b:s10+s2], $0x80, v7, vm0, $0xb8;
	[tilespmem:$0x13400] =	vst v63  }
0xd5: {  	v5 =	vadd.s32 v3, v5  }
0xd6: {  	[tilespmem:s1], [sflag:$0x1] =	stream.indirect_vreg.gather [hbm4b:s11+s2], $0x80, v7, vm0, $0xb8;
	[tilespmem:$0x13400] =	vst v63  }
0xd7: {  	s29 =	simm.s32 $0x4400  }
0xd8: {  	[tilespmem:s29], [sflag:$0x1] =	stream.indirect_vreg.gather [hbm4b:s12+s2], $0x80, v7, vm0, $0xb8;
	[tilespmem:$0x13400] =	vst v63  }
0xd9: {  	_ = 	snop  }
0xda: {  	[tilespmem:s19], [sflag:$0x1] =	stream.indirect_vreg.gather [hbm4b:s0+s2], $0x80, v5, vm0, $0xb8;
	[tilespmem:$0x13400] =	vst v63  }
0xdb: {  	_ = 	snop  }
0xdc: {  	[tilespmem:s20], [sflag:$0x1] =	stream.indirect_vreg.gather [hbm4b:s5+s2], $0x80, v5, vm0, $0xb8;
	[tilespmem:$0x13400] =	vst v63  }
0xdd: {  	_ = 	snop  }
0xde: {  	[tilespmem:s21], [sflag:$0x1] =	stream.indirect_vreg.gather [hbm4b:s6+s2], $0x80, v5, vm0, $0xb8;
	[tilespmem:$0x13400] =	vst v63  }
0xdf: {  	_ = 	snop  }
0xe0: {  	[tilespmem:s23], [sflag:$0x1] =	stream.indirect_vreg.gather [hbm4b:s7+s2], $0x80, v5, vm0, $0xb8;
	[tilespmem:$0x13400] =	vst v63  }
0xe1: {  	_ = 	snop  }
0xe2: {  	[tilespmem:s18], [sflag:$0x1] =	stream.indirect_vreg.gather [hbm4b:s8+s2], $0x80, v5, vm0, $0xb8;
	[tilespmem:$0x13400] =	vst v63  }
0xe3: {  	_ = 	snop  }
0xe4: {  	[tilespmem:s3], [sflag:$0x1] =	stream.indirect_vreg.gather [hbm4b:s9+s2], $0x80, v5, vm0, $0xb8;
	[tilespmem:$0x13400] =	vst v63  }
0xe5: {  	s30 =	simm.s32 $0x7C00  }
0xe6: {  	[tilespmem:s30], [sflag:$0x1] =	stream.indirect_vreg.gather [hbm4b:s10+s2], $0x80, v5, vm0, $0xb8;
	[tilespmem:$0x13400] =	vst v63  }
0xe7: {  	s31 =	simm.s32 $0x8400  }
0xe8: {  	[tilespmem:s31], [sflag:$0x1] =	stream.indirect_vreg.gather [hbm4b:s11+s2], $0x80, v5, vm0, $0xb8;
	[tilespmem:$0x13400] =	vst v63  }
0xe9: {  	s3 =	simm.s32 $0x8C00  }
0xea: {  	[tilespmem:s3], [sflag:$0x1] =	stream.indirect_vreg.gather [hbm4b:s12+s2], $0x80, v5, vm0, $0xb8;
	[tilespmem:$0x13400] =	vst v63  }
0xeb: {  	s1 =	rddreg [dreg:$0x12];
	_ =	swait.ge [sflag:s22], $0x9000  }
0xec: {  	[sflag:s22] =	ssyncset.done $0x0  }
0xed: {  	s18 =	rddreg [dreg:$0xe];
	[sflag:s22] =	ssyncadd.s32 $0xFFFF7000  }
0xee: {  	[hbm4b:s18+s2] =	stream.linear.scatter [tilespmem:s16], [sflag:$0x2], $0x9000, $0x38;
	[tilespmem:$0x13400] =	vst v63  }
0xef: {  	_ =	swait.ge [sflag:s17], $0x9000  }
0xf0: {  	[sflag:s17] =	ssyncset.done $0x0  }
0xf1: {  	[sflag:s17] =	ssyncadd.s32 $0xFFFF7000  }
0xf2: {  	v5 =	vld [tilespmem:s13+$0x100];
	_ =	sdelay $0x4  }
0xf3: {  	v6 =	vadd.s32 v1, v5  }
0xf4: {  	[tilespmem:$0x380] =	vst v6  }
0xf5: {  	v7 =	vld [tilespmem:s13+$0x110];
	_ =	sdelay $0x4  }
0xf6: {  	v7 =	vadd.s32 v1, v7  }
0xf7: {  	[tilespmem:$0x390] =	vst v7  }
0xf8: {  	v7 =	vld [tilespmem:s13+$0x120];
	_ =	sdelay $0x2  }
0xf9: {  	v6 =	vshrl.u32 v6, $0x3  }
0xfa: {  	v6 =	vmul.u32 $0x28, v6  }
0xfb: {  	v5 =	vand.u32 $0x7, v5;
	v7 =	vadd.s32 v1, v7  }
0xfc: {  	v5 =	vor.u32 v5, v6;
	[tilespmem:$0x3A0] =	vst v7  }
0xfd: {  	v7 =	vperm.xlane v5, v2;
	v6 =	vld [tilespmem:s13+$0x130];
	_ =	sdelay $0x1  }
0xfe: {  	v7 =	vadd.s32 v3, v7;
	_ =	sdelay $0x2  }
0xff: {  	v6 =	vadd.s32 v1, v6  }
0x100: {  	s0 =	simm.s32 $0x9400;
	v5 =	vperm.xlane v5, v4;
	[tilespmem:$0x3B0] =	vst v6  }
0x101: {  	[tilespmem:s0], [sflag:$0x1] =	stream.indirect_vreg.gather [hbm4b:s4+s2], $0x80, v7, vm0, $0xb8;
	[tilespmem:$0x13400] =	vst v63  }
0x102: {  	s3 =	simm.s32 $0x9C00;
	v5 =	vadd.s32 v3, v5  }
0x103: {  	[tilespmem:s3], [sflag:$0x1] =	stream.indirect_vreg.gather [hbm4b:s14+s2], $0x80, v7, vm0, $0xb8;
	[tilespmem:$0x13400] =	vst v63  }
0x104: {  	s16 =	simm.s32 $0xA400  }
0x105: {  	[tilespmem:s16], [sflag:$0x1] =	stream.indirect_vreg.gather [hbm4b:s15+s2], $0x80, v7, vm1, $0xb8;
	[tilespmem:$0x13400] =	vst v63  }
0x106: {  	s18 =	simm.s32 $0xA800  }
0x107: {  	[tilespmem:s18], [sflag:$0x1] =	stream.indirect_vreg.gather [hbm4b:s4+s2], $0x80, v5, vm0, $0xb8;
	[tilespmem:$0x13400] =	vst v63  }
0x108: {  	s19 =	simm.s32 $0xB000  }
0x109: {  	[tilespmem:s19], [sflag:$0x1] =	stream.indirect_vreg.gather [hbm4b:s14+s2], $0x80, v5, vm0, $0xb8;
	[tilespmem:$0x13400] =	vst v63  }
0x10a: {  	s20 =	simm.s32 $0xB800  }
0x10b: {  	[tilespmem:s20], [sflag:$0x1] =	stream.indirect_vreg.gather [hbm4b:s15+s2], $0x80, v5, vm1, $0xb8;
	[tilespmem:$0x13400] =	vst v63  }
0x10c: {  	v5 =	vld [tilespmem:$0x390];
	_ =	sdelay $0x4  }
0x10d: {  	v6 =	vshrl.u32 v5, $0x3  }
0x10e: {  	v6 =	vmul.u32 $0x28, v6  }
0x10f: {  	v5 =	vand.u32 $0x7, v5  }
0x110: {  	v5 =	vor.u32 v5, v6  }
0x111: {  	v6 =	vperm.xlane v5, v2;
	_ =	sdelay $0x1  }
0x112: {  	v6 =	vadd.s32 v3, v6;
	_ =	sdelay $0x3  }
0x113: {  	s21 =	simm.s32 $0xBC00;
	v5 =	vperm.xlane v5, v4  }
0x114: {  	[tilespmem:s21], [sflag:$0x1] =	stream.indirect_vreg.gather [hbm4b:s4+s2], $0x80, v6, vm0, $0xb8;
	[tilespmem:$0x13400] =	vst v63  }
0x115: {  	s23 =	simm.s32 $0xC400;
	v5 =	vadd.s32 v3, v5  }
0x116: {  	[tilespmem:s23], [sflag:$0x1] =	stream.indirect_vreg.gather [hbm4b:s14+s2], $0x80, v6, vm0, $0xb8;
	[tilespmem:$0x13400] =	vst v63  }
0x117: {  	s25 =	simm.s32 $0xCC00  }
0x118: {  	[tilespmem:s25], [sflag:$0x1] =	stream.indirect_vreg.gather [hbm4b:s15+s2], $0x80, v6, vm1, $0xb8;
	[tilespmem:$0x13400] =	vst v63  }
0x119: {  	s26 =	simm.s32 $0xD000  }
0x11a: {  	[tilespmem:s26], [sflag:$0x1] =	stream.indirect_vreg.gather [hbm4b:s4+s2], $0x80, v5, vm0, $0xb8;
	[tilespmem:$0x13400] =	vst v63  }
0x11b: {  	s28 =	simm.s32 $0xD800  }
0x11c: {  	[tilespmem:s28], [sflag:$0x1] =	stream.indirect_vreg.gather [hbm4b:s14+s2], $0x80, v5, vm0, $0xb8;
	[tilespmem:$0x13400] =	vst v63  }
0x11d: {  	s29 =	simm.s32 $0xE000  }
0x11e: {  	[tilespmem:s29], [sflag:$0x1] =	stream.indirect_vreg.gather [hbm4b:s15+s2], $0x80, v5, vm1, $0xb8;
	[tilespmem:$0x13400] =	vst v63  }
0x11f: {  	v5 =	vld [tilespmem:$0x3A0];
	_ =	sdelay $0x4  }
0x120: {  	v6 =	vshrl.u32 v5, $0x3  }
0x121: {  	v6 =	vmul.u32 $0x28, v6  }
0x122: {  	v5 =	vand.u32 $0x7, v5  }
0x123: {  	v5 =	vor.u32 v5, v6  }
0x124: {  	v6 =	vperm.xlane v5, v2;
	_ =	sdelay $0x1  }
0x125: {  	v6 =	vadd.s32 v3, v6;
	_ =	sdelay $0x3  }
0x126: {  	s30 =	simm.s32 $0xE400;
	v5 =	vperm.xlane v5, v4  }
0x127: {  	[tilespmem:s30], [sflag:$0x1] =	stream.indirect_vreg.gather [hbm4b:s4+s2], $0x80, v6, vm0, $0xb8;
	[tilespmem:$0x13400] =	vst v63  }
0x128: {  	s31 =	simm.s32 $0xEC00;
	v5 =	vadd.s32 v3, v5  }
0x129: {  	[tilespmem:s31], [sflag:$0x1] =	stream.indirect_vreg.gather [hbm4b:s14+s2], $0x80, v6, vm0, $0xb8;
	[tilespmem:$0x13400] =	vst v63  }
0x12a: {  	s24 =	simm.s32 $0xF400  }
0x12b: {  	[tilespmem:s24], [sflag:$0x1] =	stream.indirect_vreg.gather [hbm4b:s15+s2], $0x80, v6, vm1, $0xb8;
	[tilespmem:$0x13400] =	vst v63  }
0x12c: {  	s24 =	simm.s32 $0xF800  }
0x12d: {  	[tilespmem:s24], [sflag:$0x1] =	stream.indirect_vreg.gather [hbm4b:s4+s2], $0x80, v5, vm0, $0xb8;
	[tilespmem:$0x13400] =	vst v63  }
0x12e: {  	s24 =	simm.s32 $0x10000  }
0x12f: {  	[tilespmem:s24], [sflag:$0x1] =	stream.indirect_vreg.gather [hbm4b:s14+s2], $0x80, v5, vm0, $0xb8;
	[tilespmem:$0x13400] =	vst v63  }
0x130: {  	s24 =	simm.s32 $0x10800  }
0x131: {  	[tilespmem:s24], [sflag:$0x1] =	stream.indirect_vreg.gather [hbm4b:s15+s2], $0x80, v5, vm1, $0xb8;
	[tilespmem:$0x13400] =	vst v63  }
0x132: {  	v5 =	vld [tilespmem:$0x3B0];
	_ =	sdelay $0x4  }
0x133: {  	v6 =	vshrl.u32 v5, $0x3  }
0x134: {  	v6 =	vmul.u32 $0x28, v6  }
0x135: {  	v5 =	vand.u32 $0x7, v5  }
0x136: {  	v5 =	vor.u32 v5, v6  }
0x137: {  	v6 =	vperm.xlane v5, v2;
	_ =	sdelay $0x1  }
0x138: {  	v6 =	vadd.s32 v3, v6;
	_ =	sdelay $0x3  }
0x139: {  	s24 =	simm.s32 $0x10C00;
	v5 =	vperm.xlane v5, v4  }
0x13a: {  	[tilespmem:s24], [sflag:$0x1] =	stream.indirect_vreg.gather [hbm4b:s4+s2], $0x80, v6, vm0, $0xb8;
	[tilespmem:$0x13400] =	vst v63  }
0x13b: {  	v5 =	vadd.s32 v3, v5;
	s24 =	simm.s32 $0x11400  }
0x13c: {  	[tilespmem:s24], [sflag:$0x1] =	stream.indirect_vreg.gather [hbm4b:s14+s2], $0x80, v6, vm0, $0xb8;
	[tilespmem:$0x13400] =	vst v63  }
0x13d: {  	s24 =	simm.s32 $0x11C00  }
0x13e: {  	[tilespmem:s24], [sflag:$0x1] =	stream.indirect_vreg.gather [hbm4b:s15+s2], $0x80, v6, vm1, $0xb8;
	[tilespmem:$0x13400] =	vst v63  }
0x13f: {  	s24 =	simm.s32 $0x12000  }
0x140: {  	[tilespmem:s24], [sflag:$0x1] =	stream.indirect_vreg.gather [hbm4b:s4+s2], $0x80, v5, vm0, $0xb8;
	[tilespmem:$0x13400] =	vst v63  }
0x141: {  	s24 =	simm.s32 $0x12800  }
0x142: {  	[tilespmem:s24], [sflag:$0x1] =	stream.indirect_vreg.gather [hbm4b:s14+s2], $0x80, v5, vm0, $0xb8;
	[tilespmem:$0x13400] =	vst v63  }
0x143: {  	s24 =	simm.s32 $0x13000  }
0x144: {  	[tilespmem:s24], [sflag:$0x1] =	stream.indirect_vreg.gather [hbm4b:s15+s2], $0x80, v5, vm1, $0xb8;
	[tilespmem:$0x13400] =	vst v63  }
0x145: {  	_ =	swait.ge [sflag:s22], $0xA000  }
0x146: {  	[sflag:s22] =	ssyncset.done $0x0  }
0x147: {  	s24 =	rddreg [dreg:$0xf];
	[sflag:s22] =	ssyncadd.s32 $0xFFFF6000  }
0x148: {  	[hbm4b:s24+s2] =	stream.linear.scatter [tilespmem:s0], [sflag:$0x2], $0xA000, $0x38;
	[tilespmem:$0x13400] =	vst v63  }
0x149: {  	_ =	swait.ge [sflag:s17], $0xA000  }
0x14a: {  	[sflag:s17] =	ssyncset.done $0x0  }
0x14b: {  	[sflag:s17] =	ssyncadd.s32 $0xFFFF6000  }
0x14c: {  	v5 =	vld [tilespmem:s13+$0x140];
	_ =	sdelay $0x4  }
0x14d: {  	v6 =	vadd.s32 v1, v5  }
0x14e: {  	[tilespmem:$0x380] =	vst v6  }
0x14f: {  	v7 =	vld [tilespmem:s13+$0x150];
	_ =	sdelay $0x4  }
0x150: {  	v7 =	vadd.s32 v1, v7  }
0x151: {  	[tilespmem:$0x390] =	vst v7  }
0x152: {  	v7 =	vld [tilespmem:s13+$0x160];
	_ =	sdelay $0x2  }
0x153: {  	v6 =	vshrl.u32 v6, $0x3  }
0x154: {  	v6 =	vmul.u32 $0x28, v6  }
0x155: {  	v5 =	vand.u32 $0x7, v5;
	v7 =	vadd.s32 v1, v7  }
0x156: {  	v5 =	vor.u32 v5, v6;
	[tilespmem:$0x3A0] =	vst v7  }
0x157: {  	v7 =	vperm.xlane v5, v2;
	v6 =	vld [tilespmem:s13+$0x170];
	_ =	sdelay $0x1  }
0x158: {  	v7 =	vadd.s32 v3, v7;
	_ =	sdelay $0x2  }
0x159: {  	v6 =	vadd.s32 v1, v6  }
0x15a: {  	v5 =	vperm.xlane v5, v4;
	[tilespmem:$0x3B0] =	vst v6  }
0x15b: {  	[tilespmem:s0], [sflag:$0x1] =	stream.indirect_vreg.gather [hbm4b:s4+s2], $0x80, v7, vm0, $0xb8;
	[tilespmem:$0x13400] =	vst v63  }
0x15c: {  	v5 =	vadd.s32 v3, v5  }
0x15d: {  	[tilespmem:s3], [sflag:$0x1] =	stream.indirect_vreg.gather [hbm4b:s14+s2], $0x80, v7, vm0, $0xb8;
	[tilespmem:$0x13400] =	vst v63  }
0x15e: {  	_ = 	snop  }
0x15f: {  	[tilespmem:s16], [sflag:$0x1] =	stream.indirect_vreg.gather [hbm4b:s15+s2], $0x80, v7, vm1, $0xb8;
	[tilespmem:$0x13400] =	vst v63  }
0x160: {  	_ = 	snop  }
0x161: {  	[tilespmem:s18], [sflag:$0x1] =	stream.indirect_vreg.gather [hbm4b:s4+s2], $0x80, v5, vm0, $0xb8;
	[tilespmem:$0x13400] =	vst v63  }
0x162: {  	_ = 	snop  }
0x163: {  	[tilespmem:s19], [sflag:$0x1] =	stream.indirect_vreg.gather [hbm4b:s14+s2], $0x80, v5, vm0, $0xb8;
	[tilespmem:$0x13400] =	vst v63  }
0x164: {  	_ = 	snop  }
0x165: {  	[tilespmem:s20], [sflag:$0x1] =	stream.indirect_vreg.gather [hbm4b:s15+s2], $0x80, v5, vm1, $0xb8;
	[tilespmem:$0x13400] =	vst v63  }
0x166: {  	v5 =	vld [tilespmem:$0x390];
	_ =	sdelay $0x4  }
0x167: {  	v6 =	vshrl.u32 v5, $0x3  }
0x168: {  	v6 =	vmul.u32 $0x28, v6  }
0x169: {  	v5 =	vand.u32 $0x7, v5  }
0x16a: {  	v5 =	vor.u32 v5, v6  }
0x16b: {  	v6 =	vperm.xlane v5, v2;
	_ =	sdelay $0x1  }
0x16c: {  	v6 =	vadd.s32 v3, v6;
	_ =	sdelay $0x3  }
0x16d: {  	v5 =	vperm.xlane v5, v4  }
0x16e: {  	[tilespmem:s21], [sflag:$0x1] =	stream.indirect_vreg.gather [hbm4b:s4+s2], $0x80, v6, vm0, $0xb8;
	[tilespmem:$0x13400] =	vst v63  }
0x16f: {  	v5 =	vadd.s32 v3, v5  }
0x170: {  	[tilespmem:s23], [sflag:$0x1] =	stream.indirect_vreg.gather [hbm4b:s14+s2], $0x80, v6, vm0, $0xb8;
	[tilespmem:$0x13400] =	vst v63  }
0x171: {  	_ = 	snop  }
0x172: {  	[tilespmem:s25], [sflag:$0x1] =	stream.indirect_vreg.gather [hbm4b:s15+s2], $0x80, v6, vm1, $0xb8;
	[tilespmem:$0x13400] =	vst v63  }
0x173: {  	_ = 	snop  }
0x174: {  	[tilespmem:s26], [sflag:$0x1] =	stream.indirect_vreg.gather [hbm4b:s4+s2], $0x80, v5, vm0, $0xb8;
	[tilespmem:$0x13400] =	vst v63  }
0x175: {  	_ = 	snop  }
0x176: {  	[tilespmem:s28], [sflag:$0x1] =	stream.indirect_vreg.gather [hbm4b:s14+s2], $0x80, v5, vm0, $0xb8;
	[tilespmem:$0x13400] =	vst v63  }
0x177: {  	_ = 	snop  }
0x178: {  	[tilespmem:s29], [sflag:$0x1] =	stream.indirect_vreg.gather [hbm4b:s15+s2], $0x80, v5, vm1, $0xb8;
	[tilespmem:$0x13400] =	vst v63  }
0x179: {  	v5 =	vld [tilespmem:$0x3A0];
	_ =	sdelay $0x4  }
0x17a: {  	v6 =	vshrl.u32 v5, $0x3  }
0x17b: {  	v6 =	vmul.u32 $0x28, v6  }
0x17c: {  	v5 =	vand.u32 $0x7, v5  }
0x17d: {  	v5 =	vor.u32 v5, v6  }
0x17e: {  	v6 =	vperm.xlane v5, v2;
	_ =	sdelay $0x1  }
0x17f: {  	v6 =	vadd.s32 v3, v6;
	_ =	sdelay $0x3  }
0x180: {  	v5 =	vperm.xlane v5, v4  }
0x181: {  	[tilespmem:s30], [sflag:$0x1] =	stream.indirect_vreg.gather [hbm4b:s4+s2], $0x80, v6, vm0, $0xb8;
	[tilespmem:$0x13400] =	vst v63  }
0x182: {  	v5 =	vadd.s32 v3, v5  }
0x183: {  	[tilespmem:s31], [sflag:$0x1] =	stream.indirect_vreg.gather [hbm4b:s14+s2], $0x80, v6, vm0, $0xb8;
	[tilespmem:$0x13400] =	vst v63  }
0x184: {  	s19 =	simm.s32 $0xF400  }
0x185: {  	[tilespmem:s19], [sflag:$0x1] =	stream.indirect_vreg.gather [hbm4b:s15+s2], $0x80, v6, vm1, $0xb8;
	[tilespmem:$0x13400] =	vst v63  }
0x186: {  	s20 =	simm.s32 $0xF800  }
0x187: {  	[tilespmem:s20], [sflag:$0x1] =	stream.indirect_vreg.gather [hbm4b:s4+s2], $0x80, v5, vm0, $0xb8;
	[tilespmem:$0x13400] =	vst v63  }
0x188: {  	s21 =	simm.s32 $0x10000  }
0x189: {  	[tilespmem:s21], [sflag:$0x1] =	stream.indirect_vreg.gather [hbm4b:s14+s2], $0x80, v5, vm0, $0xb8;
	[tilespmem:$0x13400] =	vst v63  }
0x18a: {  	s23 =	simm.s32 $0x10800  }
0x18b: {  	[tilespmem:s23], [sflag:$0x1] =	stream.indirect_vreg.gather [hbm4b:s15+s2], $0x80, v5, vm1, $0xb8;
	[tilespmem:$0x13400] =	vst v63  }
0x18c: {  	v5 =	vld [tilespmem:$0x3B0];
	_ =	sdelay $0x4  }
0x18d: {  	v6 =	vshrl.u32 v5, $0x3  }
0x18e: {  	v6 =	vmul.u32 $0x28, v6  }
0x18f: {  	v5 =	vand.u32 $0x7, v5  }
0x190: {  	v5 =	vor.u32 v5, v6  }
0x191: {  	v6 =	vperm.xlane v5, v2;
	_ =	sdelay $0x1  }
0x192: {  	v6 =	vadd.s32 v3, v6;
	_ =	sdelay $0x3  }
0x193: {  	s24 =	simm.s32 $0x10C00;
	v5 =	vperm.xlane v5, v4  }
0x194: {  	[tilespmem:s24], [sflag:$0x1] =	stream.indirect_vreg.gather [hbm4b:s4+s2], $0x80, v6, vm0, $0xb8;
	[tilespmem:$0x13400] =	vst v63  }
0x195: {  	s25 =	simm.s32 $0x11400;
	v5 =	vadd.s32 v3, v5  }
0x196: {  	[tilespmem:s25], [sflag:$0x1] =	stream.indirect_vreg.gather [hbm4b:s14+s2], $0x80, v6, vm0, $0xb8;
	[tilespmem:$0x13400] =	vst v63  }
0x197: {  	s26 =	simm.s32 $0x11C00  }
0x198: {  	[tilespmem:s26], [sflag:$0x1] =	stream.indirect_vreg.gather [hbm4b:s15+s2], $0x80, v6, vm1, $0xb8;
	[tilespmem:$0x13400] =	vst v63  }
0x199: {  	s28 =	simm.s32 $0x12000  }
0x19a: {  	[tilespmem:s28], [sflag:$0x1] =	stream.indirect_vreg.gather [hbm4b:s4+s2], $0x80, v5, vm0, $0xb8;
	[tilespmem:$0x13400] =	vst v63  }
0x19b: {  	s29 =	simm.s32 $0x12800  }
0x19c: {  	[tilespmem:s29], [sflag:$0x1] =	stream.indirect_vreg.gather [hbm4b:s14+s2], $0x80, v5, vm0, $0xb8;
	[tilespmem:$0x13400] =	vst v63  }
0x19d: {  	s30 =	simm.s32 $0x13000  }
0x19e: {  	[tilespmem:s30], [sflag:$0x1] =	stream.indirect_vreg.gather [hbm4b:s15+s2], $0x80, v5, vm1, $0xb8;
	[tilespmem:$0x13400] =	vst v63  }
0x19f: {  	_ =	swait.ge [sflag:s22], $0xA000  }
0x1a0: {  	p0 =	sne.s32 s1, $0x1;
	[sflag:s22] =	ssyncset.done $0x0  }
.Ltmp0:
0x1a1: {  	s31 =	rddreg [dreg:$0x10];
	[sflag:s22] =	ssyncadd.s32 $0xFFFF6000;
	(pc) =	sbr.rel @p0 .LBB2_1-.Ltmp0, $4  }
0x1a2: {  	[hbm4b:s31+s2] =	stream.linear.scatter [tilespmem:s0], [sflag:$0x2], $0xA000, $0x38;
	[tilespmem:$0x13400] =	vst v63  }
0x1a3: {  	_ =	swait.ge [sflag:s17], $0xA000  }
0x1a4: {  	[sflag:s17] =	ssyncset.done $0x0  }
0x1a5: {  	s1 =	sadd.s32 $0xFFFFFFFF, s1;
	[sflag:s17] =	ssyncadd.s32 $0xFFFF6000  }
0x1a6: {  	_ =	sfence.sel $0x180000  }
0x1a7: {  	[bflag:$0x0] =	sbarrier.arrive $0xFFFF  }
0x1a8: {  	_ =	strace $0x90000047  }
0x1a9: {  	s0 =	stileid.u32;
	[bflag:$0x2] =	sbarrier.arrive $0xFFFF  }
0x1aa: {  	p0 =	sne.s32 s0, $0x0;
	s0 =	rddreg [dreg:$0x4]  }
0x1ab: {  	s0 =	sadd.s32 @!p0 $0x100000, s0  }
0x1ac: {  	[sflag:s0] =	ssyncadd.tile.s32 @!p0 $0x1;
	_ =	shalt  }
.Lfunc_end2:
_tile_overlayer_lowered:
.L_overlay_start_2:
0x1ad: {  	(tag) =	ssettag $0x2  }
0x1ae: {  	s0 =	rddreg [dreg:$0x0];
	s2 =	stileid.u32  }
0x1af: {  	s1 =	rddreg [dreg:$0x1];
	p0 =	sne.s32 s2, $0x0  }
0x1b0: {  	s3 =	rddreg [dreg:$0x2];
	[bflag:$0x3] =	sbarrier.arrive $0xFFFF;
	s2 =	simm.s32 @!p0 $0x1C02  }
0x1b1: {  	[timem:s3], [sflag:s2] =	dma.local @!p0 [hbm:s0], s1  }
0x1b2: {  	s0 =	simm.s32 @!p0 $0x2  }
0x1b3: {  	_ =	swait.ge @!p0 [sflag:s0], s1  }
0x1b4: {  	s1 =	ssub.s32 @!p0 $0x0, s1;
	[sflag:s0] =	ssyncset.done @!p0 $0x0  }
0x1b5: {  	[sflag:s0] =	ssyncadd.s32 @!p0 s1  }
0x1b6: {  	[bflag:$0x3] =	sbarrier.arrive $0xFFFF  }
0x1b7: {  	_ =	shalt  }

</sc_bundles>
